<compile_context>
chip_gen: v7x
topology: tpu7x:2x2x1
jax: 0.10.2.dev20260603
libtpu: 0.0.44.dev20260713+nightly
codegen_flags: <defaults>
</compile_context>

<pallas_src>
import functools

import jax
import jax.numpy as jnp
from jax import lax
from jax.experimental import pallas as pl
from jax.experimental.pallas import tpu as pltpu
from jax.experimental.pallas import tpu_sc as plsc

_INFO = plsc.get_sparse_core_info()
_NC = _INFO.num_cores
_NS = _INFO.num_subcores
_L = _INFO.num_lanes
_NW = _NC * _NS

_ROWS, _COLS = 16384, 200
_D = 4
_JH = _COLS // 8
_IH = _ROWS // 128
_NT = 8
_NUNITS = _JH * (_IH // _NT)
_MAXU = -(-_NUNITS // _NW)


def _make_emb():
    mesh = plsc.VectorSubcoreMesh(core_axis_name="c", subcore_axis_name="s")

    @functools.partial(
        pl.kernel,
        mesh=mesh,
        out_type=jax.ShapeDtypeStruct((_COLS, _IH, _D, 128), jnp.float32),
        compiler_params=pltpu.CompilerParams(needs_layout_passes=False),
        scratch_types=[
            pltpu.VMEM((8 * _D * _L,), jnp.float32),
            pltpu.VMEM((2, _NT, 8, 128), jnp.int32),
            pltpu.VMEM((2, 8, _NT, _D, 128), jnp.float32),
            pltpu.SemaphoreType.DMA((2,)),
            pltpu.SemaphoreType.DMA((2,)),
        ],
    )
    def emb(tab_hbm, ids_hbm, out_hbm, tab_r, ids_v, out_v, isem, osem):
        wid = lax.axis_index("s") * _NC + lax.axis_index("c")
        pltpu.sync_copy(tab_hbm, tab_r)
        cvecs = [lax.iota(jnp.int32, _L) + d * _L for d in range(_D)]

        def valid(c):
            return c * _NW + wid < _NUNITS

        def ids_dma(c, buf):
            u = c * _NW + wid
            jh = u >> 4
            q = u & 15
            return pltpu.make_async_copy(
                ids_hbm.at[jh, pl.ds(q * _NT, _NT)], ids_v.at[buf], isem.at[buf]
            )

        def out_dma(c, buf):
            u = c * _NW + wid
            jh = u >> 4
            q = u & 15
            return pltpu.make_async_copy(
                out_v.at[buf],
                out_hbm.at[pl.ds(jh * 8, 8), pl.ds(q * _NT, _NT)],
                osem.at[buf],
            )

        ids_dma(0, 0).start()

        def unit_body(c, carry):
            cur = c & 1

            @pl.when(valid(c + 1))
            def _():
                ids_dma(c + 1, 1 - cur).start()

            @pl.when(valid(c))
            def _():
                ids_dma(c, cur).wait()

                @pl.when(c >= 2)
                def _():
                    out_dma(c - 2, cur).wait()

                @plsc.parallel_loop(0, _NT * 64, unroll=8)
                def body(t):
                    ti = t >> 6
                    jl = (t >> 3) & 7
                    s = (t & 7) * _L
                    ids16 = ids_v[cur, ti, jl, pl.ds(s, _L)]
                    base = ids16 * (_D * _L)
                    for d in range(_D):
                        g = plsc.load_gather(tab_r, [base + cvecs[d]])
                        out_v[cur, jl, ti, d, pl.ds(s, _L)] = g

                out_dma(c, cur).start()

            return carry

        lax.fori_loop(0, _MAXU, unit_body, 0)
        for k in range(_MAXU - 3, _MAXU):
            @pl.when(jnp.logical_and(valid(k), jnp.logical_not(valid(k + 2))))
            def _():
                out_dma(k, k & 1).wait()

    return emb


_emb = _make_emb()


@jax.jit
def kernel(input_ids, table):
    trep = jnp.tile(table[:, :, None], (1, 1, _L)).reshape(8 * _D * _L)
    ids4 = input_ids.T.reshape(_JH, 8, _IH, 128).transpose(0, 2, 1, 3)
    out4 = _emb(trep, ids4)
    return out4.transpose(1, 3, 0, 2).reshape(_ROWS, _COLS, _D)

# --- scband reference (transcript-rebuilt; emitter-appended) ---
"""Pipeline reference for scband-legacy-causal-55061480735486 (READ-ONLY COPY).

The authoritative reference and input builder live on the scoring server;
editing this copy changes nothing except your own understanding.
"""

import jax, jax.numpy as jnp
import numpy as np


def setup_inputs(seed: int = 0) -> dict:
    key = jax.random.key(seed)
    k_ids, k_tab = jax.random.split(key)
    input_ids = jax.random.randint(k_ids, (16384, 200), 0, 8, dtype=jnp.int32)
    # Embedding table matching nn.Embedding(8, 4)
    table = jax.random.normal(k_tab, (8, 4), dtype=jnp.float32)
    return {"input_ids": input_ids, "table": table}


def reference(input_ids, table):
    # _LegacyCausal.forward: x = embed(input_ids); blocks are Identity; norm is Identity (unused)
    x = jnp.take(table, input_ids, axis=0)
    # _LegacyBlock.forward is identity
    return x

if __name__ == "__main__":
    import jax
    _d = setup_inputs()
    print(jax.jit(kernel)(*tuple(_d.values())))

</pallas_src>

<mosaic_0001>
#map = affine_map<(d0, d1) -> (0)>
#map1 = affine_map<(d0, d1) -> (0, 0, 0, 0)>
module attributes {stable_mosaic.version = 14 : i64} {
  func.func @emb(%arg0: i32, %arg1: i32, %arg2: memref<512xf32, #tpu.memory_space<hbm>>, %arg3: memref<25x128x8x128xi32, #tpu.memory_space<hbm>>, %arg4: memref<200x128x4x128xf32, #tpu.memory_space<hbm>>, %arg5: memref<512xf32, #tpu.memory_space<vmem>>, %arg6: memref<2x8x8x128xi32, #tpu.memory_space<vmem>>, %arg7: memref<2x8x8x4x128xf32, #tpu.memory_space<vmem>>, %arg8: memref<2x!tpu.dma_semaphore, #tpu.memory_space<semaphore_mem>>, %arg9: memref<2x!tpu.dma_semaphore, #tpu.memory_space<semaphore_mem>>) attributes {dimension_semantics = [#tpu.dimension_semantics<core_parallel>, #tpu.dimension_semantics<subcore_parallel>], iteration_bounds = array<i64: 2, 16>, scalar_prefetch = 0 : i64, scratch_operands = 5 : i64, tpu.core_type = #tpu.core_type<sc_vector_subcore>, window_params = [{transform_indices = #map}, {transform_indices = #map1}, {transform_indices = #map1}]} {
    %mul3A = arith.constant 2 : i32
    %mul3A_0 = arith.muli %arg1, %mul3A : i32
    %add3A = arith.addi %mul3A_0, %arg0 : i32
    "tpu.region"() ({
      %run_scoped3A = tpu.sem_alloc : memref<!tpu.dma_semaphore, #tpu.memory_space<semaphore_mem>>
      tpu.enqueue_dma source(%arg2 : memref<512xf32, #tpu.memory_space<hbm>>) target(%arg5 : memref<512xf32, #tpu.memory_space<vmem>>) target_semaphore(%run_scoped3A : memref<!tpu.dma_semaphore, #tpu.memory_space<semaphore_mem>>)
      tpu.wait_dma2 semaphore(%run_scoped3A : memref<!tpu.dma_semaphore, #tpu.memory_space<semaphore_mem>>) src(%arg2 : memref<512xf32, #tpu.memory_space<hbm>>) dst(%arg5 : memref<512xf32, #tpu.memory_space<vmem>>)
      tpu.yield
    }) : () -> ()
    %iota3A = tpu.iota {dimensions = array<i32: 0>} : vector<16xi32>
    %add3A_1 = arith.constant 0 : i32
    %add3A_2 = vector.broadcast %add3A_1 : i32 to vector<16xi32>
    %add3A_3 = arith.addi %iota3A, %add3A_2 : vector<16xi32>
    %iota3A_4 = tpu.iota {dimensions = array<i32: 0>} : vector<16xi32>
    %add3A_5 = arith.constant 16 : i32
    %add3A_6 = vector.broadcast %add3A_5 : i32 to vector<16xi32>
    %add3A_7 = arith.addi %iota3A_4, %add3A_6 : vector<16xi32>
    %iota3A_8 = tpu.iota {dimensions = array<i32: 0>} : vector<16xi32>
    %add3A_9 = arith.constant 32 : i32
    %add3A_10 = vector.broadcast %add3A_9 : i32 to vector<16xi32>
    %add3A_11 = arith.addi %iota3A_8, %add3A_10 : vector<16xi32>
    %iota3A_12 = tpu.iota {dimensions = array<i32: 0>} : vector<16xi32>
    %add3A_13 = arith.constant 48 : i32
    %add3A_14 = vector.broadcast %add3A_13 : i32 to vector<16xi32>
    %add3A_15 = arith.addi %iota3A_12, %add3A_14 : vector<16xi32>
    %add3A_16 = arith.constant 0 : i32
    %add3A_17 = arith.addi %add3A_16, %add3A : i32
    %shift_right_arithmetic3A = arith.constant 4 : i32
    %shift_right_arithmetic3A_18 = arith.shrsi %add3A_17, %shift_right_arithmetic3A : i32
    %and3A = arith.constant 15 : i32
    %and3A_19 = arith.andi %add3A_17, %and3A : i32
    %mul3A_20 = arith.constant 8 : i32
    %mul3A_21 = arith.muli %and3A_19, %mul3A_20 : i32
    %dma_start3A = arith.constant 0 : i32
    %dma_start3A_22 = arith.constant 0 : i32
    %dma_start3A_23 = arith.constant 0 : i32
    %dma_start3A_24 = arith.constant 0 : i32
    %dma_start3A_25 = arith.constant 0 : i32
    %dma_start3A_26 = tpu.memref_slice %arg6[%dma_start3A, %dma_start3A_23, %dma_start3A_24, %dma_start3A_25] : memref<2x8x8x128xi32, #tpu.memory_space<vmem>> -> memref<1x8x8x128xi32, #tpu.memory_space<vmem>>
    %dma_start3A_27 = tpu.memref_squeeze %dma_start3A_26 : memref<1x8x8x128xi32, #tpu.memory_space<vmem>> -> memref<8x8x128xi32, #tpu.memory_space<vmem>>
    %dma_start3A_28 = arith.constant 0 : i32
    %dma_start3A_29 = arith.constant 0 : i32
    %dma_start3A_30 = tpu.memref_slice %arg3[%shift_right_arithmetic3A_18, %mul3A_21, %dma_start3A_28, %dma_start3A_29] : memref<25x128x8x128xi32, #tpu.memory_space<hbm>> -> memref<1x8x8x128xi32, #tpu.memory_space<hbm>>
    %dma_start3A_31 = tpu.memref_squeeze %dma_start3A_30 : memref<1x8x8x128xi32, #tpu.memory_space<hbm>> -> memref<8x8x128xi32, #tpu.memory_space<hbm>>
    %dma_start3A_32 = tpu.memref_slice %arg8[%dma_start3A_22] : memref<2x!tpu.dma_semaphore, #tpu.memory_space<semaphore_mem>> -> memref<1x!tpu.dma_semaphore, #tpu.memory_space<semaphore_mem>>
    %dma_start3A_33 = tpu.memref_squeeze %dma_start3A_32 : memref<1x!tpu.dma_semaphore, #tpu.memory_space<semaphore_mem>> -> memref<!tpu.dma_semaphore, #tpu.memory_space<semaphore_mem>>
    %dma_start3A_34 = arith.constant 0 : i32
    %dma_start3A_35 = arith.constant 0 : i32
    %dma_start3A_36 = arith.constant 0 : i32
    %dma_start3A_37 = tpu.memref_slice %arg6[%dma_start3A, %dma_start3A_34, %dma_start3A_35, %dma_start3A_36] : memref<2x8x8x128xi32, #tpu.memory_space<vmem>> -> memref<1x8x8x128xi32, #tpu.memory_space<vmem>>
    %dma_start3A_38 = tpu.memref_squeeze %dma_start3A_37 : memref<1x8x8x128xi32, #tpu.memory_space<vmem>> -> memref<8x8x128xi32, #tpu.memory_space<vmem>>
    %dma_start3A_39 = arith.constant 0 : i32
    %dma_start3A_40 = arith.constant 0 : i32
    %dma_start3A_41 = tpu.memref_slice %arg3[%shift_right_arithmetic3A_18, %mul3A_21, %dma_start3A_39, %dma_start3A_40] : memref<25x128x8x128xi32, #tpu.memory_space<hbm>> -> memref<1x8x8x128xi32, #tpu.memory_space<hbm>>
    %dma_start3A_42 = tpu.memref_squeeze %dma_start3A_41 : memref<1x8x8x128xi32, #tpu.memory_space<hbm>> -> memref<8x8x128xi32, #tpu.memory_space<hbm>>
    tpu.enqueue_dma source(%dma_start3A_42 : memref<8x8x128xi32, #tpu.memory_space<hbm>>) target(%dma_start3A_38 : memref<8x8x128xi32, #tpu.memory_space<vmem>>) target_semaphore(%dma_start3A_33 : memref<!tpu.dma_semaphore, #tpu.memory_space<semaphore_mem>>)
    %scan3A = arith.constant 0 : i32
    %scan3A_43 = arith.constant 0 : i32
    %scan3A_44 = arith.constant 13 : i32
    %scan3A_45 = arith.addi %scan3A_43, %scan3A_44 : i32
    %scan3A_46 = arith.constant 1 : i32
    scf.for %scan3A_86 = %scan3A_43 to %scan3A_45 step %scan3A_46  : i32 {
      %and3A_87 = arith.constant 1 : i32
      %and3A_88 = arith.andi %scan3A_86, %and3A_87 : i32
      %add3A_89 = arith.constant 1 : i32
      %add3A_90 = arith.addi %scan3A_86, %add3A_89 : i32
      %mul3A_91 = arith.constant 32 : i32
      %mul3A_92 = arith.muli %add3A_90, %mul3A_91 : i32
      %add3A_93 = arith.addi %mul3A_92, %add3A : i32
      %lt3A_94 = arith.constant 400 : i32
      %lt3A_95 = arith.cmpi slt, %add3A_93, %lt3A_94 : i32
      %convert_element_type3A_96 = arith.extui %lt3A_95 : i1 to i32
      %cond3A_97 = arith.constant 0 : i32
      %cond3A_98 = arith.cmpi ne, %convert_element_type3A_96, %cond3A_97 : i32
      scf.if %cond3A_98 {
        %add3A_107 = arith.constant 1 : i32
        %add3A_108 = arith.addi %scan3A_86, %add3A_107 : i32
        %sub3A = arith.constant 1 : i32
        %sub3A_109 = arith.subi %sub3A, %and3A_88 : i32
        %mul3A_110 = arith.constant 32 : i32
        %mul3A_111 = arith.muli %add3A_108, %mul3A_110 : i32
        %add3A_112 = arith.addi %mul3A_111, %add3A : i32
        %shift_right_arithmetic3A_113 = arith.constant 4 : i32
        %shift_right_arithmetic3A_114 = arith.shrsi %add3A_112, %shift_right_arithmetic3A_113 : i32
        %and3A_115 = arith.constant 15 : i32
        %and3A_116 = arith.andi %add3A_112, %and3A_115 : i32
        %mul3A_117 = arith.constant 8 : i32
        %mul3A_118 = arith.muli %and3A_116, %mul3A_117 : i32
        %dma_start3A_119 = arith.constant 0 : i32
        %dma_start3A_120 = arith.constant 0 : i32
        %dma_start3A_121 = arith.constant 0 : i32
        %dma_start3A_122 = tpu.memref_slice %arg6[%sub3A_109, %dma_start3A_119, %dma_start3A_120, %dma_start3A_121] : memref<2x8x8x128xi32, #tpu.memory_space<vmem>> -> memref<1x8x8x128xi32, #tpu.memory_space<vmem>>
        %dma_start3A_123 = tpu.memref_squeeze %dma_start3A_122 : memref<1x8x8x128xi32, #tpu.memory_space<vmem>> -> memref<8x8x128xi32, #tpu.memory_space<vmem>>
        %dma_start3A_124 = arith.constant 0 : i32
        %dma_start3A_125 = arith.constant 0 : i32
        %dma_start3A_126 = tpu.memref_slice %arg3[%shift_right_arithmetic3A_114, %mul3A_118, %dma_start3A_124, %dma_start3A_125] : memref<25x128x8x128xi32, #tpu.memory_space<hbm>> -> memref<1x8x8x128xi32, #tpu.memory_space<hbm>>
        %dma_start3A_127 = tpu.memref_squeeze %dma_start3A_126 : memref<1x8x8x128xi32, #tpu.memory_space<hbm>> -> memref<8x8x128xi32, #tpu.memory_space<hbm>>
        %dma_start3A_128 = tpu.memref_slice %arg8[%sub3A_109] : memref<2x!tpu.dma_semaphore, #tpu.memory_space<semaphore_mem>> -> memref<1x!tpu.dma_semaphore, #tpu.memory_space<semaphore_mem>>
        %dma_start3A_129 = tpu.memref_squeeze %dma_start3A_128 : memref<1x!tpu.dma_semaphore, #tpu.memory_space<semaphore_mem>> -> memref<!tpu.dma_semaphore, #tpu.memory_space<semaphore_mem>>
        %dma_start3A_130 = arith.constant 0 : i32
        %dma_start3A_131 = arith.constant 0 : i32
        %dma_start3A_132 = arith.constant 0 : i32
        %dma_start3A_133 = tpu.memref_slice %arg6[%sub3A_109, %dma_start3A_130, %dma_start3A_131, %dma_start3A_132] : memref<2x8x8x128xi32, #tpu.memory_space<vmem>> -> memref<1x8x8x128xi32, #tpu.memory_space<vmem>>
        %dma_start3A_134 = tpu.memref_squeeze %dma_start3A_133 : memref<1x8x8x128xi32, #tpu.memory_space<vmem>> -> memref<8x8x128xi32, #tpu.memory_space<vmem>>
        %dma_start3A_135 = arith.constant 0 : i32
        %dma_start3A_136 = arith.constant 0 : i32
        %dma_start3A_137 = tpu.memref_slice %arg3[%shift_right_arithmetic3A_114, %mul3A_118, %dma_start3A_135, %dma_start3A_136] : memref<25x128x8x128xi32, #tpu.memory_space<hbm>> -> memref<1x8x8x128xi32, #tpu.memory_space<hbm>>
        %dma_start3A_138 = tpu.memref_squeeze %dma_start3A_137 : memref<1x8x8x128xi32, #tpu.memory_space<hbm>> -> memref<8x8x128xi32, #tpu.memory_space<hbm>>
        tpu.enqueue_dma source(%dma_start3A_138 : memref<8x8x128xi32, #tpu.memory_space<hbm>>) target(%dma_start3A_134 : memref<8x8x128xi32, #tpu.memory_space<vmem>>) target_semaphore(%dma_start3A_129 : memref<!tpu.dma_semaphore, #tpu.memory_space<semaphore_mem>>)
      } else {
      }
      %mul3A_99 = arith.constant 32 : i32
      %mul3A_100 = arith.muli %scan3A_86, %mul3A_99 : i32
      %add3A_101 = arith.addi %mul3A_100, %add3A : i32
      %lt3A_102 = arith.constant 400 : i32
      %lt3A_103 = arith.cmpi slt, %add3A_101, %lt3A_102 : i32
      %convert_element_type3A_104 = arith.extui %lt3A_103 : i1 to i32
      %cond3A_105 = arith.constant 0 : i32
      %cond3A_106 = arith.cmpi ne, %convert_element_type3A_104, %cond3A_105 : i32
      scf.if %cond3A_106 {
        %mul3A_107 = arith.constant 32 : i32
        %mul3A_108 = arith.muli %scan3A_86, %mul3A_107 : i32
        %add3A_109 = arith.addi %mul3A_108, %add3A : i32
        %shift_right_arithmetic3A_110 = arith.constant 4 : i32
        %shift_right_arithmetic3A_111 = arith.shrsi %add3A_109, %shift_right_arithmetic3A_110 : i32
        %and3A_112 = arith.constant 15 : i32
        %and3A_113 = arith.andi %add3A_109, %and3A_112 : i32
        %mul3A_114 = arith.constant 8 : i32
        %mul3A_115 = arith.muli %and3A_113, %mul3A_114 : i32
        %dma_wait3A = arith.constant 0 : i32
        %dma_wait3A_116 = arith.constant 0 : i32
        %dma_wait3A_117 = arith.constant 0 : i32
        %dma_wait3A_118 = tpu.memref_slice %arg6[%and3A_88, %dma_wait3A, %dma_wait3A_116, %dma_wait3A_117] : memref<2x8x8x128xi32, #tpu.memory_space<vmem>> -> memref<1x8x8x128xi32, #tpu.memory_space<vmem>>
        %dma_wait3A_119 = tpu.memref_squeeze %dma_wait3A_118 : memref<1x8x8x128xi32, #tpu.memory_space<vmem>> -> memref<8x8x128xi32, #tpu.memory_space<vmem>>
        %dma_wait3A_120 = arith.constant 0 : i32
        %dma_wait3A_121 = arith.constant 0 : i32
        %dma_wait3A_122 = tpu.memref_slice %arg3[%shift_right_arithmetic3A_111, %mul3A_115, %dma_wait3A_120, %dma_wait3A_121] : memref<25x128x8x128xi32, #tpu.memory_space<hbm>> -> memref<1x8x8x128xi32, #tpu.memory_space<hbm>>
        %dma_wait3A_123 = tpu.memref_squeeze %dma_wait3A_122 : memref<1x8x8x128xi32, #tpu.memory_space<hbm>> -> memref<8x8x128xi32, #tpu.memory_space<hbm>>
        %dma_wait3A_124 = tpu.memref_slice %arg8[%and3A_88] : memref<2x!tpu.dma_semaphore, #tpu.memory_space<semaphore_mem>> -> memref<1x!tpu.dma_semaphore, #tpu.memory_space<semaphore_mem>>
        %dma_wait3A_125 = tpu.memref_squeeze %dma_wait3A_124 : memref<1x!tpu.dma_semaphore, #tpu.memory_space<semaphore_mem>> -> memref<!tpu.dma_semaphore, #tpu.memory_space<semaphore_mem>>
        %dma_wait3A_126 = arith.constant 0 : i32
        %dma_wait3A_127 = arith.constant 0 : i32
        %dma_wait3A_128 = arith.constant 0 : i32
        %dma_wait3A_129 = tpu.memref_slice %arg6[%and3A_88, %dma_wait3A_126, %dma_wait3A_127, %dma_wait3A_128] : memref<2x8x8x128xi32, #tpu.memory_space<vmem>> -> memref<1x8x8x128xi32, #tpu.memory_space<vmem>>
        %dma_wait3A_130 = tpu.memref_squeeze %dma_wait3A_129 : memref<1x8x8x128xi32, #tpu.memory_space<vmem>> -> memref<8x8x128xi32, #tpu.memory_space<vmem>>
        %dma_wait3A_131 = arith.constant 0 : i32
        %dma_wait3A_132 = arith.constant 0 : i32
        %dma_wait3A_133 = tpu.memref_slice %arg3[%shift_right_arithmetic3A_111, %mul3A_115, %dma_wait3A_131, %dma_wait3A_132] : memref<25x128x8x128xi32, #tpu.memory_space<hbm>> -> memref<1x8x8x128xi32, #tpu.memory_space<hbm>>
        %dma_wait3A_134 = tpu.memref_squeeze %dma_wait3A_133 : memref<1x8x8x128xi32, #tpu.memory_space<hbm>> -> memref<8x8x128xi32, #tpu.memory_space<hbm>>
        tpu.wait_dma2 semaphore(%dma_wait3A_125 : memref<!tpu.dma_semaphore, #tpu.memory_space<semaphore_mem>>) src(%dma_wait3A_134 : memref<8x8x128xi32, #tpu.memory_space<hbm>>) dst(%dma_wait3A_130 : memref<8x8x128xi32, #tpu.memory_space<vmem>>)
        %ge3A = arith.constant 2 : i32
        %ge3A_135 = arith.cmpi sge, %scan3A_86, %ge3A : i32
        %convert_element_type3A_136 = arith.extui %ge3A_135 : i1 to i32
        %cond3A_137 = arith.constant 0 : i32
        %cond3A_138 = arith.cmpi ne, %convert_element_type3A_136, %cond3A_137 : i32
        scf.if %cond3A_138 {
          %sub3A = arith.constant 2 : i32
          %sub3A_172 = arith.subi %scan3A_86, %sub3A : i32
          %mul3A_173 = arith.constant 32 : i32
          %mul3A_174 = arith.muli %sub3A_172, %mul3A_173 : i32
          %add3A_175 = arith.addi %mul3A_174, %add3A : i32
          %shift_right_arithmetic3A_176 = arith.constant 4 : i32
          %shift_right_arithmetic3A_177 = arith.shrsi %add3A_175, %shift_right_arithmetic3A_176 : i32
          %and3A_178 = arith.constant 15 : i32
          %and3A_179 = arith.andi %add3A_175, %and3A_178 : i32
          %mul3A_180 = arith.constant 8 : i32
          %mul3A_181 = arith.muli %shift_right_arithmetic3A_177, %mul3A_180 : i32
          %mul3A_182 = arith.constant 8 : i32
          %mul3A_183 = arith.muli %and3A_179, %mul3A_182 : i32
          %dma_wait3A_184 = arith.constant 0 : i32
          %dma_wait3A_185 = arith.constant 0 : i32
          %dma_wait3A_186 = arith.constant 0 : i32
          %dma_wait3A_187 = arith.constant 0 : i32
          %dma_wait3A_188 = tpu.memref_slice %arg7[%and3A_88, %dma_wait3A_184, %dma_wait3A_185, %dma_wait3A_186, %dma_wait3A_187] : memref<2x8x8x4x128xf32, #tpu.memory_space<vmem>> -> memref<1x8x8x4x128xf32, #tpu.memory_space<vmem>>
          %dma_wait3A_189 = tpu.memref_squeeze %dma_wait3A_188 : memref<1x8x8x4x128xf32, #tpu.memory_space<vmem>> -> memref<8x8x4x128xf32, #tpu.memory_space<vmem>>
          %dma_wait3A_190 = arith.constant 0 : i32
          %dma_wait3A_191 = arith.constant 0 : i32
          %dma_wait3A_192 = tpu.memref_slice %arg4[%mul3A_181, %mul3A_183, %dma_wait3A_190, %dma_wait3A_191] : memref<200x128x4x128xf32, #tpu.memory_space<hbm>> -> memref<8x8x4x128xf32, #tpu.memory_space<hbm>>
          %dma_wait3A_193 = tpu.memref_slice %arg9[%and3A_88] : memref<2x!tpu.dma_semaphore, #tpu.memory_space<semaphore_mem>> -> memref<1x!tpu.dma_semaphore, #tpu.memory_space<semaphore_mem>>
          %dma_wait3A_194 = tpu.memref_squeeze %dma_wait3A_193 : memref<1x!tpu.dma_semaphore, #tpu.memory_space<semaphore_mem>> -> memref<!tpu.dma_semaphore, #tpu.memory_space<semaphore_mem>>
          %dma_wait3A_195 = arith.constant 0 : i32
          %dma_wait3A_196 = arith.constant 0 : i32
          %dma_wait3A_197 = tpu.memref_slice %arg4[%mul3A_181, %mul3A_183, %dma_wait3A_195, %dma_wait3A_196] : memref<200x128x4x128xf32, #tpu.memory_space<hbm>> -> memref<8x8x4x128xf32, #tpu.memory_space<hbm>>
          %dma_wait3A_198 = arith.constant 0 : i32
          %dma_wait3A_199 = arith.constant 0 : i32
          %dma_wait3A_200 = arith.constant 0 : i32
          %dma_wait3A_201 = arith.constant 0 : i32
          %dma_wait3A_202 = tpu.memref_slice %arg7[%and3A_88, %dma_wait3A_198, %dma_wait3A_199, %dma_wait3A_200, %dma_wait3A_201] : memref<2x8x8x4x128xf32, #tpu.memory_space<vmem>> -> memref<1x8x8x4x128xf32, #tpu.memory_space<vmem>>
          %dma_wait3A_203 = tpu.memref_squeeze %dma_wait3A_202 : memref<1x8x8x4x128xf32, #tpu.memory_space<vmem>> -> memref<8x8x4x128xf32, #tpu.memory_space<vmem>>
          tpu.wait_dma2 semaphore(%dma_wait3A_194 : memref<!tpu.dma_semaphore, #tpu.memory_space<semaphore_mem>>) src(%dma_wait3A_203 : memref<8x8x4x128xf32, #tpu.memory_space<vmem>>) dst(%dma_wait3A_197 : memref<8x8x4x128xf32, #tpu.memory_space<hbm>>)
        } else {
        }
        %parallel_loop3A = arith.constant 0 : i32
        %parallel_loop3A_139 = arith.constant 512 : i32
        %parallel_loop3A_140 = arith.constant 1 : i32
        scf.for %parallel_loop3A_172 = %parallel_loop3A to %parallel_loop3A_139 step %parallel_loop3A_140  : i32 {
          %parallel_loop3A_173 = arith.constant 6 : i32
          %parallel_loop3A_174 = arith.shrsi %parallel_loop3A_172, %parallel_loop3A_173 : i32
          %parallel_loop3A_175 = arith.constant 3 : i32
          %parallel_loop3A_176 = arith.shrsi %parallel_loop3A_172, %parallel_loop3A_175 : i32
          %parallel_loop3A_177 = arith.constant 7 : i32
          %parallel_loop3A_178 = arith.andi %parallel_loop3A_176, %parallel_loop3A_177 : i32
          %parallel_loop3A_179 = arith.constant 7 : i32
          %parallel_loop3A_180 = arith.andi %parallel_loop3A_172, %parallel_loop3A_179 : i32
          %parallel_loop3A_181 = arith.constant 16 : i32
          %parallel_loop3A_182 = arith.muli %parallel_loop3A_180, %parallel_loop3A_181 : i32
          %parallel_loop3A_183 = arith.index_cast %and3A_88 : i32 to index
          %parallel_loop3A_184 = arith.index_cast %parallel_loop3A_174 : i32 to index
          %parallel_loop3A_185 = arith.index_cast %parallel_loop3A_178 : i32 to index
          %parallel_loop3A_186 = arith.index_cast %parallel_loop3A_182 : i32 to index
          %parallel_loop3A_187 = tpu.vector_load %arg6[%parallel_loop3A_183, %parallel_loop3A_184, %parallel_loop3A_185, %parallel_loop3A_186] {strides = array<i32>} : memref<2x8x8x128xi32, #tpu.memory_space<vmem>>, vector<16xi32>,
          %parallel_loop3A_188 = arith.constant 64 : i32
          %parallel_loop3A_189 = vector.broadcast %parallel_loop3A_188 : i32 to vector<16xi32>
          %parallel_loop3A_190 = arith.muli %parallel_loop3A_187, %parallel_loop3A_189 : vector<16xi32>
          %parallel_loop3A_191 = arith.addi %parallel_loop3A_190, %add3A_3 : vector<16xi32>
          %parallel_loop3A_192 = tpu.vector_load_idx %arg5[%parallel_loop3A_191] : memref<512xf32, #tpu.memory_space<vmem>>[vector<16xi32>], vector<16xf32>,
          %parallel_loop3A_193 = arith.constant 0 : i32
          %parallel_loop3A_194 = arith.index_cast %and3A_88 : i32 to index
          %parallel_loop3A_195 = arith.index_cast %parallel_loop3A_178 : i32 to index
          %parallel_loop3A_196 = arith.index_cast %parallel_loop3A_174 : i32 to index
          %parallel_loop3A_197 = arith.index_cast %parallel_loop3A_193 : i32 to index
          %parallel_loop3A_198 = arith.index_cast %parallel_loop3A_182 : i32 to index
          %parallel_loop3A_199 = tpu.vector_load %arg7[%parallel_loop3A_194, %parallel_loop3A_195, %parallel_loop3A_196, %parallel_loop3A_197, %parallel_loop3A_198] {strides = array<i32>} : memref<2x8x8x4x128xf32, #tpu.memory_space<vmem>>, vector<16xf32>,
          tpu.vector_store %arg7[%parallel_loop3A_194, %parallel_loop3A_195, %parallel_loop3A_196, %parallel_loop3A_197, %parallel_loop3A_198], %parallel_loop3A_192 {strides = array<i32>} : memref<2x8x8x4x128xf32, #tpu.memory_space<vmem>>, vector<16xf32>,
          %parallel_loop3A_200 = arith.addi %parallel_loop3A_190, %add3A_7 : vector<16xi32>
          %parallel_loop3A_201 = tpu.vector_load_idx %arg5[%parallel_loop3A_200] : memref<512xf32, #tpu.memory_space<vmem>>[vector<16xi32>], vector<16xf32>,
          %parallel_loop3A_202 = arith.constant 1 : i32
          %parallel_loop3A_203 = arith.index_cast %and3A_88 : i32 to index
          %parallel_loop3A_204 = arith.index_cast %parallel_loop3A_178 : i32 to index
          %parallel_loop3A_205 = arith.index_cast %parallel_loop3A_174 : i32 to index
          %parallel_loop3A_206 = arith.index_cast %parallel_loop3A_202 : i32 to index
          %parallel_loop3A_207 = arith.index_cast %parallel_loop3A_182 : i32 to index
          %parallel_loop3A_208 = tpu.vector_load %arg7[%parallel_loop3A_203, %parallel_loop3A_204, %parallel_loop3A_205, %parallel_loop3A_206, %parallel_loop3A_207] {strides = array<i32>} : memref<2x8x8x4x128xf32, #tpu.memory_space<vmem>>, vector<16xf32>,
          tpu.vector_store %arg7[%parallel_loop3A_203, %parallel_loop3A_204, %parallel_loop3A_205, %parallel_loop3A_206, %parallel_loop3A_207], %parallel_loop3A_201 {strides = array<i32>} : memref<2x8x8x4x128xf32, #tpu.memory_space<vmem>>, vector<16xf32>,
          %parallel_loop3A_209 = arith.addi %parallel_loop3A_190, %add3A_11 : vector<16xi32>
          %parallel_loop3A_210 = tpu.vector_load_idx %arg5[%parallel_loop3A_209] : memref<512xf32, #tpu.memory_space<vmem>>[vector<16xi32>], vector<16xf32>,
          %parallel_loop3A_211 = arith.constant 2 : i32
          %parallel_loop3A_212 = arith.index_cast %and3A_88 : i32 to index
          %parallel_loop3A_213 = arith.index_cast %parallel_loop3A_178 : i32 to index
          %parallel_loop3A_214 = arith.index_cast %parallel_loop3A_174 : i32 to index
          %parallel_loop3A_215 = arith.index_cast %parallel_loop3A_211 : i32 to index
          %parallel_loop3A_216 = arith.index_cast %parallel_loop3A_182 : i32 to index
          %parallel_loop3A_217 = tpu.vector_load %arg7[%parallel_loop3A_212, %parallel_loop3A_213, %parallel_loop3A_214, %parallel_loop3A_215, %parallel_loop3A_216] {strides = array<i32>} : memref<2x8x8x4x128xf32, #tpu.memory_space<vmem>>, vector<16xf32>,
          tpu.vector_store %arg7[%parallel_loop3A_212, %parallel_loop3A_213, %parallel_loop3A_214, %parallel_loop3A_215, %parallel_loop3A_216], %parallel_loop3A_210 {strides = array<i32>} : memref<2x8x8x4x128xf32, #tpu.memory_space<vmem>>, vector<16xf32>,
          %parallel_loop3A_218 = arith.addi %parallel_loop3A_190, %add3A_15 : vector<16xi32>
          %parallel_loop3A_219 = tpu.vector_load_idx %arg5[%parallel_loop3A_218] : memref<512xf32, #tpu.memory_space<vmem>>[vector<16xi32>], vector<16xf32>,
          %parallel_loop3A_220 = arith.constant 3 : i32
          %parallel_loop3A_221 = arith.index_cast %and3A_88 : i32 to index
          %parallel_loop3A_222 = arith.index_cast %parallel_loop3A_178 : i32 to index
          %parallel_loop3A_223 = arith.index_cast %parallel_loop3A_174 : i32 to index
          %parallel_loop3A_224 = arith.index_cast %parallel_loop3A_220 : i32 to index
          %parallel_loop3A_225 = arith.index_cast %parallel_loop3A_182 : i32 to index
          %parallel_loop3A_226 = tpu.vector_load %arg7[%parallel_loop3A_221, %parallel_loop3A_222, %parallel_loop3A_223, %parallel_loop3A_224, %parallel_loop3A_225] {strides = array<i32>} : memref<2x8x8x4x128xf32, #tpu.memory_space<vmem>>, vector<16xf32>,
          tpu.vector_store %arg7[%parallel_loop3A_221, %parallel_loop3A_222, %parallel_loop3A_223, %parallel_loop3A_224, %parallel_loop3A_225], %parallel_loop3A_219 {strides = array<i32>} : memref<2x8x8x4x128xf32, #tpu.memory_space<vmem>>, vector<16xf32>,
        } {sc.loop_unroll_factor = 8 : i64, sc.parallel_access}
        %mul3A_141 = arith.constant 32 : i32
        %mul3A_142 = arith.muli %scan3A_86, %mul3A_141 : i32
        %add3A_143 = arith.addi %mul3A_142, %add3A : i32
        %shift_right_arithmetic3A_144 = arith.constant 4 : i32
        %shift_right_arithmetic3A_145 = arith.shrsi %add3A_143, %shift_right_arithmetic3A_144 : i32
        %and3A_146 = arith.constant 15 : i32
        %and3A_147 = arith.andi %add3A_143, %and3A_146 : i32
        %mul3A_148 = arith.constant 8 : i32
        %mul3A_149 = arith.muli %shift_right_arithmetic3A_145, %mul3A_148 : i32
        %mul3A_150 = arith.constant 8 : i32
        %mul3A_151 = arith.muli %and3A_147, %mul3A_150 : i32
        %dma_start3A_152 = arith.constant 0 : i32
        %dma_start3A_153 = arith.constant 0 : i32
        %dma_start3A_154 = arith.constant 0 : i32
        %dma_start3A_155 = arith.constant 0 : i32
        %dma_start3A_156 = tpu.memref_slice %arg7[%and3A_88, %dma_start3A_152, %dma_start3A_153, %dma_start3A_154, %dma_start3A_155] : memref<2x8x8x4x128xf32, #tpu.memory_space<vmem>> -> memref<1x8x8x4x128xf32, #tpu.memory_space<vmem>>
        %dma_start3A_157 = tpu.memref_squeeze %dma_start3A_156 : memref<1x8x8x4x128xf32, #tpu.memory_space<vmem>> -> memref<8x8x4x128xf32, #tpu.memory_space<vmem>>
        %dma_start3A_158 = arith.constant 0 : i32
        %dma_start3A_159 = arith.constant 0 : i32
        %dma_start3A_160 = tpu.memref_slice %arg4[%mul3A_149, %mul3A_151, %dma_start3A_158, %dma_start3A_159] : memref<200x128x4x128xf32, #tpu.memory_space<hbm>> -> memref<8x8x4x128xf32, #tpu.memory_space<hbm>>
        %dma_start3A_161 = tpu.memref_slice %arg9[%and3A_88] : memref<2x!tpu.dma_semaphore, #tpu.memory_space<semaphore_mem>> -> memref<1x!tpu.dma_semaphore, #tpu.memory_space<semaphore_mem>>
        %dma_start3A_162 = tpu.memref_squeeze %dma_start3A_161 : memref<1x!tpu.dma_semaphore, #tpu.memory_space<semaphore_mem>> -> memref<!tpu.dma_semaphore, #tpu.memory_space<semaphore_mem>>
        %dma_start3A_163 = arith.constant 0 : i32
        %dma_start3A_164 = arith.constant 0 : i32
        %dma_start3A_165 = tpu.memref_slice %arg4[%mul3A_149, %mul3A_151, %dma_start3A_163, %dma_start3A_164] : memref<200x128x4x128xf32, #tpu.memory_space<hbm>> -> memref<8x8x4x128xf32, #tpu.memory_space<hbm>>
        %dma_start3A_166 = arith.constant 0 : i32
        %dma_start3A_167 = arith.constant 0 : i32
        %dma_start3A_168 = arith.constant 0 : i32
        %dma_start3A_169 = arith.constant 0 : i32
        %dma_start3A_170 = tpu.memref_slice %arg7[%and3A_88, %dma_start3A_166, %dma_start3A_167, %dma_start3A_168, %dma_start3A_169] : memref<2x8x8x4x128xf32, #tpu.memory_space<vmem>> -> memref<1x8x8x4x128xf32, #tpu.memory_space<vmem>>
        %dma_start3A_171 = tpu.memref_squeeze %dma_start3A_170 : memref<1x8x8x4x128xf32, #tpu.memory_space<vmem>> -> memref<8x8x4x128xf32, #tpu.memory_space<vmem>>
        tpu.enqueue_dma source(%dma_start3A_171 : memref<8x8x4x128xf32, #tpu.memory_space<vmem>>) target(%dma_start3A_165 : memref<8x8x4x128xf32, #tpu.memory_space<hbm>>) target_semaphore(%dma_start3A_162 : memref<!tpu.dma_semaphore, #tpu.memory_space<semaphore_mem>>)
      } else {
      }
    }
    %scan3A_47 = arith.constant 13 : i32
    %add3A_48 = arith.constant 320 : i32
    %add3A_49 = arith.addi %add3A_48, %add3A : i32
    %lt3A = arith.constant 400 : i32
    %lt3A_50 = arith.cmpi slt, %add3A_49, %lt3A : i32
    %add3A_51 = arith.constant 384 : i32
    %add3A_52 = arith.addi %add3A_51, %add3A : i32
    %lt3A_53 = arith.constant 400 : i32
    %lt3A_54 = arith.cmpi slt, %add3A_52, %lt3A_53 : i32
    %not3A = arith.constant true
    %not3A_55 = arith.xori %lt3A_54, %not3A : i1
    %and3A_56 = arith.andi %lt3A_50, %not3A_55 : i1
    %convert_element_type3A = arith.extui %and3A_56 : i1 to i32
    %cond3A = arith.constant 0 : i32
    %cond3A_57 = arith.cmpi ne, %convert_element_type3A, %cond3A : i32
    scf.if %cond3A_57 {
      %add3A_86 = arith.constant 320 : i32
      %add3A_87 = arith.addi %add3A_86, %add3A : i32
      %shift_right_arithmetic3A_88 = arith.constant 4 : i32
      %shift_right_arithmetic3A_89 = arith.shrsi %add3A_87, %shift_right_arithmetic3A_88 : i32
      %and3A_90 = arith.constant 15 : i32
      %and3A_91 = arith.andi %add3A_87, %and3A_90 : i32
      %mul3A_92 = arith.constant 8 : i32
      %mul3A_93 = arith.muli %shift_right_arithmetic3A_89, %mul3A_92 : i32
      %mul3A_94 = arith.constant 8 : i32
      %mul3A_95 = arith.muli %and3A_91, %mul3A_94 : i32
      %dma_wait3A = arith.constant 0 : i32
      %dma_wait3A_96 = arith.constant 0 : i32
      %dma_wait3A_97 = arith.constant 0 : i32
      %dma_wait3A_98 = arith.constant 0 : i32
      %dma_wait3A_99 = arith.constant 0 : i32
      %dma_wait3A_100 = arith.constant 0 : i32
      %dma_wait3A_101 = tpu.memref_slice %arg7[%dma_wait3A, %dma_wait3A_97, %dma_wait3A_98, %dma_wait3A_99, %dma_wait3A_100] : memref<2x8x8x4x128xf32, #tpu.memory_space<vmem>> -> memref<1x8x8x4x128xf32, #tpu.memory_space<vmem>>
      %dma_wait3A_102 = tpu.memref_squeeze %dma_wait3A_101 : memref<1x8x8x4x128xf32, #tpu.memory_space<vmem>> -> memref<8x8x4x128xf32, #tpu.memory_space<vmem>>
      %dma_wait3A_103 = arith.constant 0 : i32
      %dma_wait3A_104 = arith.constant 0 : i32
      %dma_wait3A_105 = tpu.memref_slice %arg4[%mul3A_93, %mul3A_95, %dma_wait3A_103, %dma_wait3A_104] : memref<200x128x4x128xf32, #tpu.memory_space<hbm>> -> memref<8x8x4x128xf32, #tpu.memory_space<hbm>>
      %dma_wait3A_106 = tpu.memref_slice %arg9[%dma_wait3A_96] : memref<2x!tpu.dma_semaphore, #tpu.memory_space<semaphore_mem>> -> memref<1x!tpu.dma_semaphore, #tpu.memory_space<semaphore_mem>>
      %dma_wait3A_107 = tpu.memref_squeeze %dma_wait3A_106 : memref<1x!tpu.dma_semaphore, #tpu.memory_space<semaphore_mem>> -> memref<!tpu.dma_semaphore, #tpu.memory_space<semaphore_mem>>
      %dma_wait3A_108 = arith.constant 0 : i32
      %dma_wait3A_109 = arith.constant 0 : i32
      %dma_wait3A_110 = tpu.memref_slice %arg4[%mul3A_93, %mul3A_95, %dma_wait3A_108, %dma_wait3A_109] : memref<200x128x4x128xf32, #tpu.memory_space<hbm>> -> memref<8x8x4x128xf32, #tpu.memory_space<hbm>>
      %dma_wait3A_111 = arith.constant 0 : i32
      %dma_wait3A_112 = arith.constant 0 : i32
      %dma_wait3A_113 = arith.constant 0 : i32
      %dma_wait3A_114 = arith.constant 0 : i32
      %dma_wait3A_115 = tpu.memref_slice %arg7[%dma_wait3A, %dma_wait3A_111, %dma_wait3A_112, %dma_wait3A_113, %dma_wait3A_114] : memref<2x8x8x4x128xf32, #tpu.memory_space<vmem>> -> memref<1x8x8x4x128xf32, #tpu.memory_space<vmem>>
      %dma_wait3A_116 = tpu.memref_squeeze %dma_wait3A_115 : memref<1x8x8x4x128xf32, #tpu.memory_space<vmem>> -> memref<8x8x4x128xf32, #tpu.memory_space<vmem>>
      tpu.wait_dma2 semaphore(%dma_wait3A_107 : memref<!tpu.dma_semaphore, #tpu.memory_space<semaphore_mem>>) src(%dma_wait3A_116 : memref<8x8x4x128xf32, #tpu.memory_space<vmem>>) dst(%dma_wait3A_110 : memref<8x8x4x128xf32, #tpu.memory_space<hbm>>)
    } else {
    }
    %add3A_58 = arith.constant 352 : i32
    %add3A_59 = arith.addi %add3A_58, %add3A : i32
    %lt3A_60 = arith.constant 400 : i32
    %lt3A_61 = arith.cmpi slt, %add3A_59, %lt3A_60 : i32
    %add3A_62 = arith.constant 416 : i32
    %add3A_63 = arith.addi %add3A_62, %add3A : i32
    %lt3A_64 = arith.constant 400 : i32
    %lt3A_65 = arith.cmpi slt, %add3A_63, %lt3A_64 : i32
    %not3A_66 = arith.constant true
    %not3A_67 = arith.xori %lt3A_65, %not3A_66 : i1
    %and3A_68 = arith.andi %lt3A_61, %not3A_67 : i1
    %convert_element_type3A_69 = arith.extui %and3A_68 : i1 to i32
    %cond3A_70 = arith.constant 0 : i32
    %cond3A_71 = arith.cmpi ne, %convert_element_type3A_69, %cond3A_70 : i32
    scf.if %cond3A_71 {
      %add3A_86 = arith.constant 352 : i32
      %add3A_87 = arith.addi %add3A_86, %add3A : i32
      %shift_right_arithmetic3A_88 = arith.constant 4 : i32
      %shift_right_arithmetic3A_89 = arith.shrsi %add3A_87, %shift_right_arithmetic3A_88 : i32
      %and3A_90 = arith.constant 15 : i32
      %and3A_91 = arith.andi %add3A_87, %and3A_90 : i32
      %mul3A_92 = arith.constant 8 : i32
      %mul3A_93 = arith.muli %shift_right_arithmetic3A_89, %mul3A_92 : i32
      %mul3A_94 = arith.constant 8 : i32
      %mul3A_95 = arith.muli %and3A_91, %mul3A_94 : i32
      %dma_wait3A = arith.constant 1 : i32
      %dma_wait3A_96 = arith.constant 1 : i32
      %dma_wait3A_97 = arith.constant 0 : i32
      %dma_wait3A_98 = arith.constant 0 : i32
      %dma_wait3A_99 = arith.constant 0 : i32
      %dma_wait3A_100 = arith.constant 0 : i32
      %dma_wait3A_101 = tpu.memref_slice %arg7[%dma_wait3A, %dma_wait3A_97, %dma_wait3A_98, %dma_wait3A_99, %dma_wait3A_100] : memref<2x8x8x4x128xf32, #tpu.memory_space<vmem>> -> memref<1x8x8x4x128xf32, #tpu.memory_space<vmem>>
      %dma_wait3A_102 = tpu.memref_squeeze %dma_wait3A_101 : memref<1x8x8x4x128xf32, #tpu.memory_space<vmem>> -> memref<8x8x4x128xf32, #tpu.memory_space<vmem>>
      %dma_wait3A_103 = arith.constant 0 : i32
      %dma_wait3A_104 = arith.constant 0 : i32
      %dma_wait3A_105 = tpu.memref_slice %arg4[%mul3A_93, %mul3A_95, %dma_wait3A_103, %dma_wait3A_104] : memref<200x128x4x128xf32, #tpu.memory_space<hbm>> -> memref<8x8x4x128xf32, #tpu.memory_space<hbm>>
      %dma_wait3A_106 = tpu.memref_slice %arg9[%dma_wait3A_96] : memref<2x!tpu.dma_semaphore, #tpu.memory_space<semaphore_mem>> -> memref<1x!tpu.dma_semaphore, #tpu.memory_space<semaphore_mem>>
      %dma_wait3A_107 = tpu.memref_squeeze %dma_wait3A_106 : memref<1x!tpu.dma_semaphore, #tpu.memory_space<semaphore_mem>> -> memref<!tpu.dma_semaphore, #tpu.memory_space<semaphore_mem>>
      %dma_wait3A_108 = arith.constant 0 : i32
      %dma_wait3A_109 = arith.constant 0 : i32
      %dma_wait3A_110 = tpu.memref_slice %arg4[%mul3A_93, %mul3A_95, %dma_wait3A_108, %dma_wait3A_109] : memref<200x128x4x128xf32, #tpu.memory_space<hbm>> -> memref<8x8x4x128xf32, #tpu.memory_space<hbm>>
      %dma_wait3A_111 = arith.constant 0 : i32
      %dma_wait3A_112 = arith.constant 0 : i32
      %dma_wait3A_113 = arith.constant 0 : i32
      %dma_wait3A_114 = arith.constant 0 : i32
      %dma_wait3A_115 = tpu.memref_slice %arg7[%dma_wait3A, %dma_wait3A_111, %dma_wait3A_112, %dma_wait3A_113, %dma_wait3A_114] : memref<2x8x8x4x128xf32, #tpu.memory_space<vmem>> -> memref<1x8x8x4x128xf32, #tpu.memory_space<vmem>>
      %dma_wait3A_116 = tpu.memref_squeeze %dma_wait3A_115 : memref<1x8x8x4x128xf32, #tpu.memory_space<vmem>> -> memref<8x8x4x128xf32, #tpu.memory_space<vmem>>
      tpu.wait_dma2 semaphore(%dma_wait3A_107 : memref<!tpu.dma_semaphore, #tpu.memory_space<semaphore_mem>>) src(%dma_wait3A_116 : memref<8x8x4x128xf32, #tpu.memory_space<vmem>>) dst(%dma_wait3A_110 : memref<8x8x4x128xf32, #tpu.memory_space<hbm>>)
    } else {
    }
    %add3A_72 = arith.constant 384 : i32
    %add3A_73 = arith.addi %add3A_72, %add3A : i32
    %lt3A_74 = arith.constant 400 : i32
    %lt3A_75 = arith.cmpi slt, %add3A_73, %lt3A_74 : i32
    %add3A_76 = arith.constant 448 : i32
    %add3A_77 = arith.addi %add3A_76, %add3A : i32
    %lt3A_78 = arith.constant 400 : i32
    %lt3A_79 = arith.cmpi slt, %add3A_77, %lt3A_78 : i32
    %not3A_80 = arith.constant true
    %not3A_81 = arith.xori %lt3A_79, %not3A_80 : i1
    %and3A_82 = arith.andi %lt3A_75, %not3A_81 : i1
    %convert_element_type3A_83 = arith.extui %and3A_82 : i1 to i32
    %cond3A_84 = arith.constant 0 : i32
    %cond3A_85 = arith.cmpi ne, %convert_element_type3A_83, %cond3A_84 : i32
    scf.if %cond3A_85 {
      %add3A_86 = arith.constant 384 : i32
      %add3A_87 = arith.addi %add3A_86, %add3A : i32
      %shift_right_arithmetic3A_88 = arith.constant 4 : i32
      %shift_right_arithmetic3A_89 = arith.shrsi %add3A_87, %shift_right_arithmetic3A_88 : i32
      %and3A_90 = arith.constant 15 : i32
      %and3A_91 = arith.andi %add3A_87, %and3A_90 : i32
      %mul3A_92 = arith.constant 8 : i32
      %mul3A_93 = arith.muli %shift_right_arithmetic3A_89, %mul3A_92 : i32
      %mul3A_94 = arith.constant 8 : i32
      %mul3A_95 = arith.muli %and3A_91, %mul3A_94 : i32
      %dma_wait3A = arith.constant 0 : i32
      %dma_wait3A_96 = arith.constant 0 : i32
      %dma_wait3A_97 = arith.constant 0 : i32
      %dma_wait3A_98 = arith.constant 0 : i32
      %dma_wait3A_99 = arith.constant 0 : i32
      %dma_wait3A_100 = arith.constant 0 : i32
      %dma_wait3A_101 = tpu.memref_slice %arg7[%dma_wait3A, %dma_wait3A_97, %dma_wait3A_98, %dma_wait3A_99, %dma_wait3A_100] : memref<2x8x8x4x128xf32, #tpu.memory_space<vmem>> -> memref<1x8x8x4x128xf32, #tpu.memory_space<vmem>>
      %dma_wait3A_102 = tpu.memref_squeeze %dma_wait3A_101 : memref<1x8x8x4x128xf32, #tpu.memory_space<vmem>> -> memref<8x8x4x128xf32, #tpu.memory_space<vmem>>
      %dma_wait3A_103 = arith.constant 0 : i32
      %dma_wait3A_104 = arith.constant 0 : i32
      %dma_wait3A_105 = tpu.memref_slice %arg4[%mul3A_93, %mul3A_95, %dma_wait3A_103, %dma_wait3A_104] : memref<200x128x4x128xf32, #tpu.memory_space<hbm>> -> memref<8x8x4x128xf32, #tpu.memory_space<hbm>>
      %dma_wait3A_106 = tpu.memref_slice %arg9[%dma_wait3A_96] : memref<2x!tpu.dma_semaphore, #tpu.memory_space<semaphore_mem>> -> memref<1x!tpu.dma_semaphore, #tpu.memory_space<semaphore_mem>>
      %dma_wait3A_107 = tpu.memref_squeeze %dma_wait3A_106 : memref<1x!tpu.dma_semaphore, #tpu.memory_space<semaphore_mem>> -> memref<!tpu.dma_semaphore, #tpu.memory_space<semaphore_mem>>
      %dma_wait3A_108 = arith.constant 0 : i32
      %dma_wait3A_109 = arith.constant 0 : i32
      %dma_wait3A_110 = tpu.memref_slice %arg4[%mul3A_93, %mul3A_95, %dma_wait3A_108, %dma_wait3A_109] : memref<200x128x4x128xf32, #tpu.memory_space<hbm>> -> memref<8x8x4x128xf32, #tpu.memory_space<hbm>>
      %dma_wait3A_111 = arith.constant 0 : i32
      %dma_wait3A_112 = arith.constant 0 : i32
      %dma_wait3A_113 = arith.constant 0 : i32
      %dma_wait3A_114 = arith.constant 0 : i32
      %dma_wait3A_115 = tpu.memref_slice %arg7[%dma_wait3A, %dma_wait3A_111, %dma_wait3A_112, %dma_wait3A_113, %dma_wait3A_114] : memref<2x8x8x4x128xf32, #tpu.memory_space<vmem>> -> memref<1x8x8x4x128xf32, #tpu.memory_space<vmem>>
      %dma_wait3A_116 = tpu.memref_squeeze %dma_wait3A_115 : memref<1x8x8x4x128xf32, #tpu.memory_space<vmem>> -> memref<8x8x4x128xf32, #tpu.memory_space<vmem>>
      tpu.wait_dma2 semaphore(%dma_wait3A_107 : memref<!tpu.dma_semaphore, #tpu.memory_space<semaphore_mem>>) src(%dma_wait3A_116 : memref<8x8x4x128xf32, #tpu.memory_space<vmem>>) dst(%dma_wait3A_110 : memref<8x8x4x128xf32, #tpu.memory_space<hbm>>)
    } else {
    }
    return
  }
}

</mosaic_0001>

<sc_bundles>
// kernel: kernel.3.cloned.1.call-start
scs
__scs_entry_jumppad:
0x0: {  	(pc) =	sbr.rel $0x88, $3  }
0x1: {  	(tag) =	ssettag $0x0;
	lr =	simm.s32 $0x1  }
0x2: {  	[smem:$0x3F9F] =	sst lr;
	_ =	strace $0xD0000000  }
0x3: {  	_ = 	snop  }
0x4: {  	_ = 	snop  }
0x5: {  	_ = 	snop  }
0x6: {  	_ = 	snop  }
0x7: {  	_ = 	snop  }
__scs_overlays_trampoline_lowered:
0x8: {  	[smem:$0x3FAE] =	sst s0  }
0x9: {  	[smem:$0x3FAF] =	sst s1  }
0xa: {  	[smem:$0x3FB0] =	sst s2  }
0xb: {  	[smem:$0x3FB1] =	sst s3  }
0xc: {  	[smem:$0x3FB2] =	sst s4  }
0xd: {  	[smem:$0x3FB3] =	sst s5  }
0xe: {  	[smem:$0x3FB4] =	sst s6  }
0xf: {  	[smem:$0x3FB5] =	sst s7  }
0x10: {  	[smem:$0x3FB6] =	sst s8  }
0x11: {  	[smem:$0x3FB7] =	sst s9;
	s0 =	simm.s32 @!p0 $0x0  }
0x12: {  	s1 =	sld [smem:$0x3F9D];
	s0 =	simm.s32 @p0 $0x1  }
0x13: {  	[smem:$0x3FB8] =	sst s0;
	s0 =	simm.s32 @!p1 $0x0  }
0x14: {  	s2 =	sld [smem:$0x3F9C];
	s0 =	simm.s32 @p1 $0x1  }
0x15: {  	[smem:$0x3FB9] =	sst s0;
	s0 =	simm.s32 @!p2 $0x0  }
0x16: {  	s3 =	sld [smem:$0x3FDB];
	s0 =	simm.s32 @p2 $0x1  }
0x17: {  	s4 =	simm.s32 $0x1BF5;
	[smem:$0x3FBB] =	sst s0  }
0x18: {  	s0 =	sld [smem:$0x3F9E];
	_ =	swait.ge [sflag:s4], $0x0  }
0x19: {  	s7 =	sld [smem:$0x3F9F]  }
0x1a: {  	s8 =	sadd.s32 $0xFFFFE003, lr  }
0x1b: {  	s9 =	sadd.s32 $0xFFFFFEF7, lr;
	s5 =	simm.s32 $0xFFFFFFFF;
	p2 =	slt.u32 s8, $0xFFFFF086  }
0x1c: {  	p1 =	slt.u32 s9, $0xF7A;
	s5 =	simm.s32 @!p2 $0x0  }
0x1d: {  	s5 =	simm.s32 @p1 $0x1;
	p0 =	seq.s32 s7, s2  }
0x1e: {  	s7 =	smul.u32 @!p0 $0xF7A, s2;
	p2 =	seq.s32 @!p0 s5, $0x0  }
0x1f: {  	s9 =	smul.u32 $0xF7A, s1;
	s8 =	simm.s32 @!p0 $0x1BF5;
	p2 =	por !p2, p0  }
0x20: {  	[sflag:s8] =	ssyncset.s32 @!p0 $0xFFFFF086;
	s6 =	sadd.s32 @!p0 s3, s7;
	s7 =	simm.s32 @!p0 $0x108  }
0x21: {  	s3 =	sadd.s32 s3, s9;
	s6 =	sadd.s32 @!p0 $0x88, s6;
	s7 =	simm.s32 @p2 $0x1082  }
0x22: {  	[simem:s7], [sflag:s8] =	dma.local @!p0 [hbm:s6], $0xF7A  }
0x23: {  	s9 =	sor.u32 $0xD0000000, s2;
	s6 =	simm.s32 $0x108;
	_ =	swait.ge @!p0 [sflag:s8], $0x0  }
0x24: {  	s3 =	sadd.s32 $0x88, s3;
	s6 =	simm.s32 @!p1 $0x1082;
	[sflag:s4] =	ssyncset.s32 $0xFFFFF086  }
0x25: {  	[simem:s6], [sflag:s4] =	dma.local [hbm:s3], $0xF7A  }
0x26: {  	[smem:$0x3F9F] =	sst s1;
	(tag) =	ssettag s2;
	_ =	strace s9  }
0x27: {  	s1 =	sld [smem:$0x3FAF]  }
0x28: {  	s2 =	sld [smem:$0x3FB0]  }
0x29: {  	s4 =	sld [smem:$0x3FB2]  }
0x2a: {  	p0 =	seq.s32 s5, $0x0;
	s5 =	sld [smem:$0x3FB3]  }
0x2b: {  	s6 =	sld [smem:$0x3FB4]  }
0x2c: {  	s7 =	sld [smem:$0x3FB5]  }
0x2d: {  	s3 =	simm.s32 $0x108;
	s8 =	sld [smem:$0x3FB6]  }
0x2e: {  	s3 =	simm.s32 @!p0 $0x1082;
	s9 =	sld [smem:$0x3FB7]  }
0x2f: {  	lr =	sadd.s32 s0, s3;
	s0 =	sld [smem:$0x3FAE]  }
0x30: {  	s3 =	sld [smem:$0x3FB1]  }
0x31: {  	[smem:$0x3FBA] =	sst s10  }
0x32: {  	s10 =	sld [smem:$0x3FB8];
	_ =	sdelay $0x3  }
0x33: {  	p0 =	seq.s32 s10, $0x1;
	s10 =	sld [smem:$0x3FBA];
	_ =	sdelay $0x3  }
0x34: {  	[smem:$0x3FBA] =	sst s10  }
0x35: {  	s10 =	sld [smem:$0x3FB9];
	_ =	sdelay $0x3  }
0x36: {  	p1 =	seq.s32 s10, $0x1;
	s10 =	sld [smem:$0x3FBA];
	_ =	sdelay $0x3  }
0x37: {  	[smem:$0x3FBA] =	sst s10  }
0x38: {  	s10 =	sld [smem:$0x3FBB]  }
0x39: {  	_ = 	snop;
	(pc) =	sbr.ind lr, $3  }
0x3a: {  	_ = 	snop  }
0x3b: {  	_ = 	snop  }
0x3c: {  	p2 =	seq.s32 s10, $0x1;
	s10 =	sld [smem:$0x3FBA]  }
0x3d: {  	_ =	shalt  }
0x3e: {  	_ =	shalt  }
0x3f: {  	_ =	shalt  }
0x40: {  	_ =	shalt  }
0x41: {  	_ =	shalt  }
0x42: {  	_ =	shalt  }
0x43: {  	_ =	shalt  }
0x44: {  	_ =	shalt  }
0x45: {  	_ =	shalt  }
0x46: {  	_ =	shalt  }
0x47: {  	_ =	shalt  }
0x48: {  	_ =	shalt  }
0x49: {  	_ =	shalt  }
0x4a: {  	_ =	shalt  }
0x4b: {  	_ =	shalt  }
0x4c: {  	_ =	shalt  }
0x4d: {  	_ =	shalt  }
0x4e: {  	_ =	shalt  }
0x4f: {  	_ =	shalt  }
0x50: {  	_ =	shalt  }
0x51: {  	_ =	shalt  }
0x52: {  	_ =	shalt  }
0x53: {  	_ =	shalt  }
0x54: {  	_ =	shalt  }
0x55: {  	_ =	shalt  }
0x56: {  	_ =	shalt  }
0x57: {  	_ =	shalt  }
0x58: {  	_ =	shalt  }
0x59: {  	_ =	shalt  }
0x5a: {  	_ =	shalt  }
0x5b: {  	_ =	shalt  }
0x5c: {  	_ =	shalt  }
0x5d: {  	_ =	shalt  }
0x5e: {  	_ =	shalt  }
0x5f: {  	_ =	shalt  }
0x60: {  	_ =	shalt  }
0x61: {  	_ =	shalt  }
0x62: {  	_ =	shalt  }
0x63: {  	_ =	shalt  }
0x64: {  	_ =	shalt  }
0x65: {  	_ =	shalt  }
0x66: {  	_ =	shalt  }
0x67: {  	_ =	shalt  }
0x68: {  	_ =	shalt  }
0x69: {  	_ =	shalt  }
0x6a: {  	_ =	shalt  }
0x6b: {  	_ =	shalt  }
0x6c: {  	_ =	shalt  }
0x6d: {  	_ =	shalt  }
0x6e: {  	_ =	shalt  }
0x6f: {  	_ =	shalt  }
0x70: {  	_ =	shalt  }
0x71: {  	_ =	shalt  }
0x72: {  	_ =	shalt  }
0x73: {  	_ =	shalt  }
0x74: {  	_ =	shalt  }
0x75: {  	_ =	shalt  }
0x76: {  	_ =	shalt  }
0x77: {  	_ =	shalt  }
0x78: {  	_ =	shalt  }
0x79: {  	_ =	shalt  }
0x7a: {  	_ =	shalt  }
0x7b: {  	_ =	shalt  }
0x7c: {  	_ =	shalt  }
0x7d: {  	_ =	shalt  }
0x7e: {  	_ =	shalt  }
0x7f: {  	_ =	shalt  }
0x80: {  	_ =	shalt  }
0x81: {  	_ =	shalt  }
0x82: {  	_ =	shalt  }
0x83: {  	_ =	shalt  }
0x84: {  	_ =	shalt  }
0x85: {  	_ =	shalt  }
0x86: {  	_ =	shalt  }
0x87: {  	_ =	shalt  }
.Lfunc_end0:
.L_simem_size_0:
called_computation_lowered:
.L_overlay_start_0:
0x88: {  	s2 =	sld [smem:$0x3FD9]  }
0x89: {  	s3 =	sld [smem:$0x3FFE];
	_ =	sdelay $0x1  }
0x8a: {  	s1 =	srdreg.scid  }
0x8b: {  	s0 =	sand.u32 $0x1, s1  }
0x8c: {  	s17 =	sshll.u32 s0, $0xA;
	s2 =	sadd.s32 s3, s2  }
0x8d: {  	s2 =	sadd.s32 s2, s17  }
0x8e: {  	[smem:$0x3FC6] =	sst s2  }
0x8f: {  	_ = 	snop  }
0x90: {  	s2 =	sld [smem:$0x3FC9]  }
0x91: {  	s18 =	sld [smem:$0x3FD0];
	(tm) =	ssettm $0x1  }
0x92: {  	s4 =	sld [smem:$0x3FFB];
	_ =	sdelay $0x3  }
0x93: {  	_ =	strace s4  }
0x94: {  	s4 =	sld [smem:$0x3FFC];
	_ =	sdelay $0x3  }
0x95: {  	_ =	strace s4  }
0x96: {  	s4 =	sld [smem:$0x3FFD];
	_ =	sdelay $0x3  }
0x97: {  	_ =	strace s4  }
0x98: {  	_ =	strace $0x8FFFFFFF  }
0x99: {  	s19 =	sld [smem:$0x3FDB];
	_ =	sdelay $0x1  }
0x9a: {  	s5 =	simm.s32 $_scs_section_size  }
0x9b: {  	s6 =	simm.s32 $_size__tile_overlayer_lowered;
	s7 =	simm.s32 $_tile_overlayer_lowered  }
0x9c: {  	s22 =	simm.s32 $0x1BFF;
	s21 =	sshll.u32 s7, $0x1;
	s4 =	sadd.s32 s5, s19  }
0x9d: {  	s8 =	simm.s32 $0x0;
	s20 =	sshll.u32 s6, $0x1;
	s6 =	sadd.s32 s21, s4  }
0x9e: {  	[timem:s8], [sflag:s22] =	dma.local [hbm:s6], s20  }
0x9f: {  	_ =	swait.ge [sflag:s22], s20  }
0xa0: {  	s5 =	ssub.s32 $0x0, s20;
	[sflag:s22] =	ssyncset.done $0x0  }
0xa1: {  	[sflag:s22] =	ssyncadd.s32 s5;
	_ =	sdelay $0x1  }
0xa2: {  	s23 =	simm.s32 $0x1B8B  }
0xa3: {  	_ =	swait.ge [sflag:s23], $0x1  }
0xa4: {  	[sflag:s23] =	ssyncset.done $0x0  }
0xa5: {  	s25 =	simm.s32 $0x1B8E;
	s24 =	sld [smem:$0x3FFE];
	[sflag:s23] =	ssyncadd.s32 $0xFFFFFFFF  }
0xa6: {  	s26 =	simm.s32 $execute0_lowered;
	[smem:$0x3FD2] =	sst s25  }
0xa7: {  	s6 =	sshll.u32 s26, $0x1;
	_ =	strace $0x80000046;
	[dreg:$0x1] =	wrdreg $0xFFFFFFFF  }
0xa8: {  	s28 =	simm.s32 $_size_execute0_lowered;
	s4 =	sadd.s32 s4, s6;
	[dreg:$0x0] =	wrdreg $0x0  }
0xa9: {  	s6 =	sshll.u32 s28, $0x1;
	[dreg:$0x2] =	wrdreg s4  }
0xaa: {  	[dreg:$0x3] =	wrdreg s6  }
0xab: {  	[dreg:$0x4] =	wrdreg $0xC0  }
0xac: {  	_ =	task [dreg:s8], $0x5FFFF  }
0xad: {  	[dreg:$0x1] =	wrdreg $0xFFFFFFFF  }
0xae: {  	[dreg:$0x0] =	wrdreg $0x60  }
0xaf: {  	[dreg:$0x2] =	wrdreg s24  }
0xb0: {  	[dreg:$0x3] =	wrdreg s2  }
0xb1: {  	[dreg:$0x4] =	wrdreg s18  }
0xb2: {  	[dreg:$0x5] =	wrdreg $0x9  }
0xb3: {  	_ =	task.clear_ibuf [dreg:s8], $0x6FFFF;
	_ =	strace $0x90000046  }
0xb4: {  	s29 =	simm.s32 $0x9;
	_ =	strace $0x80000048  }
0xb5: {  	_ =	swait.ge [sflag:s29], $0x1  }
0xb6: {  	[sflag:s29] =	ssyncadd.s32 $0xFFFFFFFF  }
0xb7: {  	_ =	strace $0x90000048  }
0xb8: {  	_ =	sfence  }
0xb9: {  	s30 =	sld [smem:$0x0];
	_ =	sdelay $0x2  }
0xba: {  	s31 =	sshll.u32 s1, $0xD;
	s1 =	sshrl.u32 s1, $0x2  }
0xbb: {  	s3 =	sand.u32 $0x4000, s31;
	s1 =	sadd.s32 s1, s30  }
0xbc: {  	s0 =	sor.u32 s3, s0;
	s1 =	sshll.u32 s1, $0x11  }
0xbd: {  	s0 =	sor.u32 s1, s0  }
0xbe: {  	s0 =	sadd.s32 $0x8F2B, s0  }
0xbf: {  	[sflag:s0] =	ssyncadd.remote.s32 $0x1  }
0xc0: {  	_ =	sfence.sel $0xFFFF  }
0xc1: {  	[dreg:$0x0] =	wrdreg $0xFFFFFFFF;
	(pc) =	sbr.abs _section_cstart, $3  }
0xc2: {  	[dreg:$0x1] =	wrdreg $0xFFFFFFFF  }
0xc3: {  	_ =	task.clear_ibuf [dreg:s8], $0x2FFFF;
	_ =	strace $0x9FFFFFFF  }
0xc4: {  	(tm) =	ssettm $0x7FFFFFFF  }
0xc5: {  	_ =	shalt  }
tec
execute0_lowered:
.L_overlay_start_1:
0x0: {  	(tag) =	ssettag $0x1  }
0x1: {  	s4 =	rddreg [dreg:$0x0]  }
0x2: {  	s6 =	rddreg [dreg:$0x1]  }
0x3: {  	s7 =	rddreg [dreg:$0x2]  }
0x4: {  	s0 =	rddreg [dreg:$0x3];
	s2 =	simm.s32 $0x0  }
0x5: {  	s3 =	srdreg.scid;
	s1 =	stileid.u32;
	s12 =	simm.s32 $0x200  }
0x6: {  	s13 =	simm.s32 $0x1000;
	s14 =	simm.s32 $0x10000;
	s15 =	simm.s32 $0x0  }
0x7: {  	[smem:$0x7FF] =	sst s2;
	s3 =	sand.u32 $0x1, s3;
	s5 =	sshll.u32 s1, $0x1  }
0x8: {  	s4 =	sadd.s32 $0x400, s4;
	p0 =	sgt.u32 s1, $0x7;
	s8 =	ssub.s32 $0x2, s3  }
0x9: {  	_ =	strace $0x80000047;
	s3 =	sor.u32 s3, s5;
	s29 =	sshrl.u32 s8, $0x1  }
.Ltmp0:
0xa: {  	s9 =	sshll.u32 s3, $0xA;
	s11 =	sshll.u32 s3, $0x9;
	(pc) =	sbr.rel .LBB2_1-.Ltmp0, $4  }
0xb: {  	s10 =	ssub.s32 s8, s29;
	s30 =	sand.u32 $0x3C00, s9;
	s5 =	sadd.s32 s6, s9  }
0xc: {  	s31 =	sand.u32 $0x1E00, s11;
	s8 =	simm.s32 $0x3;
	s11 =	simm.s32 $0x5  }
0xd: {  	v0 =	vlaneseq.u32;
	s6 =	sadd.s32 s6, s30;
	s9 =	smax.u32 s10, $0x1;
	s10 =	simm.s32 $0x4  }
0xe: {  	v1 =	vor.u32 $0x10, v0;
	v2 =	vor.u32 $0x20, v0;
	v3 =	vor.u32 $0x30, v0;
	s7 =	sadd.s32 s7, s31;
	s8 =	simm.s32 @!p0 $0x4;
	s10 =	simm.s32 @!p0 $0x3  }
.LBB2_7:
0xf: {  	s15 =	sadd.s32 $0x1, s15  }
0x10: {  	_ =	swait.ge [sflag:s8], $0x8000;
	p0 =	sne.s32 s15, s9  }
.Ltmp1:
0x11: {  	[sflag:s8] =	ssyncset.done $0x0;
	(pc) =	sbr.rel @!p0 .LBB2_8-.Ltmp1, $4  }
0x12: {  	[sflag:s8] =	ssyncadd.s32 $0xFFFF8000  }
0x13: {  	_ =	swait.ge [sflag:s10], $0x8000  }
0x14: {  	[sflag:s10] =	ssyncset.done $0x0  }
0x15: {  	[sflag:s10] =	ssyncadd.s32 $0xFFFF8000  }
.LBB2_1:
0x16: {  	[tilespmem:s2], [sflag:$0x5] =	stream.linear.gather [hbm4b:s4+s2], $0x200, $0x38;
	[tilespmem:$0x14200] =	vst v63  }
.Ltmp2:
0x17: {  	_ = 	snop;
	(pc) =	sbr.rel .LBB2_2-.Ltmp2, $4  }
0x18: {  	_ =	swait.ge [sflag:s11], $0x200  }
0x19: {  	[sflag:s11] =	ssyncset.done $0x0  }
0x1a: {  	s19 =	simm.s32 $0x0;
	[sflag:s11] =	ssyncadd.s32 $0xFFFFFE00  }
0x1b: {  	[tilespmem:s12], [sflag:$0x1] =	stream.linear.gather [hbm4b:s5+s2], $0x2000, $0x38;
	[tilespmem:$0x14200] =	vst v63  }
.LBB2_6:
0x1c: {  	p0 =	sne.s32 s16, $0xD  }
.Ltmp3:
0x1d: {  	_ = 	snop;
	(pc) =	sbr.rel @!p0 .LBB2_7-.Ltmp3, $2  }
0x1e: {  	_ =	sdelay $0x2  }
0x1f: {  	s19 =	smov.u32 s16  }
.LBB2_2:
0x20: {  	s16 =	sadd.s32 $0x1, s19  }
0x21: {  	s17 =	sshll.u32 s16, $0x5  }
0x22: {  	s18 =	sor.u32 s3, s17  }
0x23: {  	s17 =	sand.u32 $0x1, s19;
	p0 =	sgt.u32 s18, $0x18F  }
0x24: {  	s31 =	sshll.u32 s19, $0x5;
	s20 =	sxor.u32 @!p0 $0x1, s17;
	s18 =	sshll.u32 @!p0 s18, $0xA  }
0x25: {  	s22 =	simm.s32 @!p0 $0x0;
	s21 =	sshll.u32 @!p0 s20, $0xD;
	s18 =	sand.u32 @!p0 $0x7C000, s18  }
0x26: {  	s20 =	sadd.s32 @!p0 $0x1, s20;
	s21 =	sor.u32 @!p0 $0x200, s21;
	s18 =	sadd.s32 @!p0 s18, s6  }
0x27: {  	[tilespmem:s21], [sflag:s20] =	stream.linear.gather @!p0 [hbm4b:s18+s22], $0x2000, $0x38;
	[tilespmem:$0x14200] =	vst v63  }
0x28: {  	s18 =	sor.u32 s3, s31  }
0x29: {  	p0 =	sgt.u32 s18, $0x18F  }
.Ltmp4:
0x2a: {  	_ = 	snop;
	(pc) =	sbr.rel @p0 .LBB2_6-.Ltmp4, $1  }
0x2b: {  	_ =	sdelay $0x3  }
0x2c: {  	s20 =	sadd.s32 $0x1, s17  }
0x2d: {  	p0 =	slt.u32 s19, $0x2;
	s21 =	sshll.u32 s17, $0xD;
	_ =	swait.ge [sflag:s20], $0x2000  }
0x2e: {  	s22 =	simm.s32 $0x0;
	s19 =	sadd.s32 @!p0 $0x3, s17;
	[sflag:s20] =	ssyncset.done $0x0  }
0x2f: {  	s21 =	sor.u32 $0x200, s21;
	[sflag:s20] =	ssyncadd.s32 $0xFFFFE000;
	s20 =	simm.s32 $0x0  }
0x30: {  	s22 =	sand.u32 $0x3FFFFC00, s22;
	_ =	swait.ge @!p0 [sflag:s19], $0x8000;
	s23 =	sand.u32 $0x7, s20  }
0x31: {  	s22 =	sadd.s32 s22, s21;
	[sflag:s19] =	ssyncset.done @!p0 $0x0;
	s24 =	sshll.u32 s23, $0x7  }
0x32: {  	[sflag:s19] =	ssyncadd.s32 @!p0 $0xFFFF8000;
	s29 =	sadd.s32 s24, s22  }
0x33: {  	v4 =	vld [tilespmem:s29+$0x0]  }
0x34: {  	v6 =	vld [tilespmem:s29+$0x20]  }
0x35: {  	v7 =	vld [tilespmem:s29+$0x30]  }
0x36: {  	v8 =	vld [tilespmem:s29+$0x40]  }
0x37: {  	v9 =	vld [tilespmem:s29+$0x10]  }
0x38: {  	v5 =	vshll.u32 v4, $0x6;
	v4 =	vld [tilespmem:s29+$0x50]  }
0x39: {  	v11 =	vld [tilespmem:s29+$0x60];
	v12 =	vshll.u32 v6, $0x6;
	v10 =	vor.u32 v0, v5  }
0x3a: {  	v6 =	vshll.u32 v7, $0x6;
	v13 =	vor.u32 v0, v12  }
0x3b: {  	v15 =	vshll.u32 v8, $0x6;
	v14 =	vor.u32 v0, v6  }
0x3c: {  	v7 =	vshll.u32 v9, $0x6;
	v8 =	vor.u32 v0, v15  }
0x3d: {  	s30 =	sshll.u32 s17, $0x11;
	v16 =	vld [tilespmem:s29+$0x70];
	v9 =	vor.u32 v0, v7;
	v20 =	vshll.u32 v4, $0x6  }
0x3e: {  	s19 =	sshrl.u32 s30, $0x2;
	v21 =	vshll.u32 v11, $0x6;
	v10 =	vld.idx.msk [tilespmem:v10+s2+$0x0], $0xffff;
	v17 =	vor.u32 v0, v20  }
0x3f: {  	v11 =	vor.u32 v0, v21;
	v4 =	vmov s19;
	v13 =	vld.idx.msk [tilespmem:v13+s2+$0x0], $0xffff  }
0x40: {  	v18 =	vor.u32 v1, v12;
	v14 =	vld.idx.msk [tilespmem:v14+s2+$0x0], $0xffff  }
0x41: {  	s31 =	simm.s32 $0x0;
	v22 =	vor.u32 v1, v6;
	v19 =	vld.idx.msk [tilespmem:v8+s2+$0x0], $0xffff  }
0x42: {  	s23 =	sshll.u32 s23, $0xC;
	s22 =	sand.u32 $0x3FFFFE00, s31;
	v9 =	vld.idx.msk [tilespmem:v9+s2+$0x0], $0xffff;
	v8 =	vshll.u32 v16, $0x6;
	v16 =	vor.u32 v1, v15  }
0x43: {  	s22 =	sadd.s32 s22, s23;
	v23 =	vor.u32 v0, v8;
	v17 =	vld.idx.msk [tilespmem:v17+s2+$0x0], $0xffff  }
0x44: {  	v11 =	vld.idx.msk [tilespmem:v11+s2+$0x0], $0xffff;
	[tilespmem:v4+s22+$0x4220 ss:$0x1] =	vst.idx.msk $0xffff, v13;
	v13 =	vor.u32 v1, v20  }
0x45: {  	[tilespmem:v4+s22+$0x4230 ss:$0x1] =	vst.idx.msk $0xffff, v14;
	v14 =	vor.u32 v1, v21;
	v18 =	vld.idx.msk [tilespmem:v18+s2+$0x0], $0xffff  }
0x46: {  	[tilespmem:v4+s22+$0x4240 ss:$0x1] =	vst.idx.msk $0xffff, v19;
	v19 =	vor.u32 v2, v12;
	v22 =	vld.idx.msk [tilespmem:v22+s2+$0x0], $0xffff  }
0x47: {  	[tilespmem:v4+s22+$0x4200 ss:$0x1] =	vst.idx.msk $0xffff, v10;
	v10 =	vld.idx.msk [tilespmem:v16+s2+$0x0], $0xffff;
	v16 =	vor.u32 v2, v6  }
0x48: {  	v23 =	vld.idx.msk [tilespmem:v23+s2+$0x0], $0xffff;
	[tilespmem:v4+s22+$0x4250 ss:$0x1] =	vst.idx.msk $0xffff, v17;
	v17 =	vor.u32 v2, v15  }
0x49: {  	[tilespmem:v4+s22+$0x4260 ss:$0x1] =	vst.idx.msk $0xffff, v11;
	v11 =	vor.u32 v1, v8;
	v13 =	vld.idx.msk [tilespmem:v13+s2+$0x0], $0xffff  }
0x4a: {  	v24 =	vld.idx.msk [tilespmem:v14+s2+$0x0], $0xffff;
	[tilespmem:v4+s22+$0x42A0 ss:$0x1] =	vst.idx.msk $0xffff, v18;
	v18 =	vor.u32 v2, v20  }
0x4b: {  	v26 =	vor.u32 v1, v7;
	[tilespmem:v4+s22+$0x42B0 ss:$0x1] =	vst.idx.msk $0xffff, v22;
	v25 =	vld.idx.msk [tilespmem:v19+s2+$0x0], $0xffff  }
0x4c: {  	v63 =	vor.u32 v2, v21;
	[tilespmem:v4+s22+$0x42C0 ss:$0x1] =	vst.idx.msk $0xffff, v10;
	v27 =	vld.idx.msk [tilespmem:v16+s2+$0x0], $0xffff  }
0x4d: {  	v12 =	vor.u32 v3, v12;
	[tilespmem:v4+s22+$0x4270 ss:$0x1] =	vst.idx.msk $0xffff, v23;
	v14 =	vld.idx.msk [tilespmem:v17+s2+$0x0], $0xffff  }
0x4e: {  	v19 =	vor.u32 v1, v5;
	v17 =	vld.idx.msk [tilespmem:v11+s2+$0x0], $0xffff;
	[tilespmem:v4+s22+$0x42D0 ss:$0x1] =	vst.idx.msk $0xffff, v13  }
0x4f: {  	[tilespmem:v4+s22+$0x4210 ss:$0x1] =	vst.idx.msk $0xffff, v9;
	v11 =	vld.idx.msk [tilespmem:v18+s2+$0x0], $0xffff;
	v18 =	vor.u32 v3, v15  }
0x50: {  	v9 =	vor.u32 v2, v8;
	v16 =	vld.idx.msk [tilespmem:v26+s2+$0x0], $0xffff;
	[tilespmem:v4+s22+$0x42E0 ss:$0x1] =	vst.idx.msk $0xffff, v24  }
0x51: {  	v10 =	vld.idx.msk [tilespmem:v63+s2+$0x0], $0xffff;
	[tilespmem:v4+s22+$0x4320 ss:$0x1] =	vst.idx.msk $0xffff, v25;
	v15 =	vor.u32 v3, v20  }
0x52: {  	s23 =	simm.s32 $0x0;
	v13 =	vor.u32 v3, v21;
	[tilespmem:v4+s22+$0x4330 ss:$0x1] =	vst.idx.msk $0xffff, v27;
	v12 =	vld.idx.msk [tilespmem:v12+s2+$0x0], $0xffff  }
.LBB2_4:
0x53: {  	s23 =	sadd.s32 $0x8, s23;
	v19 =	vld.idx.msk [tilespmem:v19+s2+$0x0], $0xffff;
	[tilespmem:v4+s22+$0x4340 ss:$0x1] =	vst.idx.msk $0xffff, v14  }
0x54: {  	s20 =	sadd.s32 $0x1, s20;
	s25 =	sshll.u32 s23, $0x4;
	s24 =	sshll.u32 s23, $0x3;
	v14 =	vld.idx.msk [tilespmem:v18+s2+$0x0], $0xffff;
	[tilespmem:v4+s22+$0x42F0 ss:$0x1] =	vst.idx.msk $0xffff, v17  }
0x55: {  	s26 =	sand.u32 $0x7, s20;
	p0 =	slt.u32 s23, $0x1F8;
	s25 =	sand.u32 $0x3FFFFC00, s25;
	[tilespmem:v4+s22+$0x4350 ss:$0x1] =	vst.idx.msk $0xffff, v11;
	v9 =	vld.idx.msk [tilespmem:v9+s2+$0x0], $0xffff  }
0x56: {  	s29 =	sshll.u32 s26, $0x7;
	s28 =	sadd.s32 s25, s21;
	s25 =	sshll.u32 s26, $0xC;
	v11 =	vld.idx.msk [tilespmem:v15+s2+$0x0], $0xffff;
	[tilespmem:v4+s22+$0x4360 ss:$0x1] =	vst.idx.msk $0xffff, v10  }
0x57: {  	s26 =	sadd.s32 s29, s28;
	[tilespmem:v4+s22+$0x4290 ss:$0x1] =	vst.idx.msk $0xffff, v16;
	v10 =	vld.idx.msk [tilespmem:v13+s2+$0x0], $0xffff  }
0x58: {  	v13 =	vld [tilespmem:s26+$0x0];
	[tilespmem:v4+s22+$0x43A0 ss:$0x1] =	vst.idx.msk $0xffff, v12  }
0x59: {  	v12 =	vld [tilespmem:s26+$0x10];
	[tilespmem:v4+s22+$0x4280 ss:$0x1] =	vst.idx.msk $0xffff, v19  }
0x5a: {  	v15 =	vld [tilespmem:s26+$0x20];
	[tilespmem:v4+s22+$0x43C0 ss:$0x1] =	vst.idx.msk $0xffff, v14  }
0x5b: {  	v16 =	vor.u32 v2, v7;
	v14 =	vld [tilespmem:s26+$0x30];
	[tilespmem:v4+s22+$0x4370 ss:$0x1] =	vst.idx.msk $0xffff, v9  }
0x5c: {  	v17 =	vor.u32 v2, v5;
	v9 =	vld [tilespmem:s26+$0x40];
	[tilespmem:v4+s22+$0x43D0 ss:$0x1] =	vst.idx.msk $0xffff, v11  }
0x5d: {  	v8 =	vor.u32 v3, v8;
	v11 =	vshll.u32 v13, $0x6;
	v13 =	vld [tilespmem:s26+$0x50];
	[tilespmem:v4+s22+$0x43E0 ss:$0x1] =	vst.idx.msk $0xffff, v10  }
0x5e: {  	v10 =	vor.u32 v0, v11;
	v12 =	vshll.u32 v12, $0x6;
	v18 =	vld [tilespmem:s26+$0x60]  }
0x5f: {  	v19 =	vor.u32 v0, v12;
	v15 =	vshll.u32 v15, $0x6;
	v20 =	vld [tilespmem:s26+$0x70]  }
0x60: {  	v21 =	vor.u32 v0, v15;
	v14 =	vshll.u32 v14, $0x6;
	v16 =	vld.idx.msk [tilespmem:v16+s2+$0x0], $0xffff  }
0x61: {  	v22 =	vor.u32 v0, v14;
	v23 =	vshll.u32 v9, $0x6;
	v9 =	vld.idx.msk [tilespmem:v17+s2+$0x0], $0xffff  }
0x62: {  	v17 =	vor.u32 v0, v23;
	v13 =	vshll.u32 v13, $0x6;
	v24 =	vld.idx.msk [tilespmem:v8+s2+$0x0], $0xffff  }
0x63: {  	v10 =	vld.idx.msk [tilespmem:v10+s2+$0x0], $0xffff;
	v25 =	vor.u32 v0, v13;
	v26 =	vshll.u32 v18, $0x6;
	v18 =	vor.u32 v3, v5;
	v5 =	vmovc v11  }
0x64: {  	v11 =	vld.idx.msk [tilespmem:v19+s2+$0x0], $0xffff;
	v19 =	vor.u32 v0, v26;
	v8 =	vshll.u32 v20, $0x6  }
0x65: {  	v20 =	vld.idx.msk [tilespmem:v21+s2+$0x0], $0xffff;
	v21 =	vor.u32 v0, v8  }
0x66: {  	v22 =	vld.idx.msk [tilespmem:v22+s2+$0x0], $0xffff;
	[tilespmem:v4+s22+$0x4310 ss:$0x1] =	vst.idx.msk $0xffff, v16  }
0x67: {  	s24 =	sand.u32 $0x3FFFFE00, s24;
	v16 =	vor.u32 v1, v15;
	v17 =	vld.idx.msk [tilespmem:v17+s2+$0x0], $0xffff;
	[tilespmem:v4+s22+$0x4300 ss:$0x1] =	vst.idx.msk $0xffff, v9  }
0x68: {  	s24 =	sadd.s32 s24, s25;
	v9 =	vor.u32 v1, v14;
	v18 =	vld.idx.msk [tilespmem:v18+s2+$0x0], $0xffff;
	[tilespmem:v4+s22+$0x43F0 ss:$0x1] =	vst.idx.msk $0xffff, v24  }
0x69: {  	[tilespmem:v4+s24+$0x4200 ss:$0x1] =	vst.idx.msk $0xffff, v10;
	v10 =	vor.u32 v1, v23;
	v24 =	vld.idx.msk [tilespmem:v25+s2+$0x0], $0xffff  }
0x6a: {  	v25 =	vor.u32 v3, v7;
	[tilespmem:v4+s24+$0x4210 ss:$0x1] =	vst.idx.msk $0xffff, v11;
	v11 =	vor.u32 v1, v13;
	v19 =	vld.idx.msk [tilespmem:v19+s2+$0x0], $0xffff  }
0x6b: {  	v7 =	vmov v12;
	[tilespmem:v4+s24+$0x4220 ss:$0x1] =	vst.idx.msk $0xffff, v20;
	v20 =	vor.u32 v1, v26;
	v21 =	vld.idx.msk [tilespmem:v21+s2+$0x0], $0xffff  }
0x6c: {  	v12 =	vld.idx.msk [tilespmem:v16+s2+$0x0], $0xffff;
	[tilespmem:v4+s24+$0x4230 ss:$0x1] =	vst.idx.msk $0xffff, v22;
	v16 =	vor.u32 v1, v8  }
0x6d: {  	v9 =	vld.idx.msk [tilespmem:v9+s2+$0x0], $0xffff;
	[tilespmem:v4+s24+$0x4240 ss:$0x1] =	vst.idx.msk $0xffff, v17;
	v17 =	vor.u32 v3, v6;
	v6 =	vmov v14  }
0x6e: {  	v14 =	vor.u32 v2, v15;
	v10 =	vld.idx.msk [tilespmem:v10+s2+$0x0], $0xffff;
	[tilespmem:v4+s22+$0x4380 ss:$0x1] =	vst.idx.msk $0xffff, v18  }
0x6f: {  	v18 =	vor.u32 v2, v6;
	[tilespmem:v4+s24+$0x4250 ss:$0x1] =	vst.idx.msk $0xffff, v24;
	v22 =	vld.idx.msk [tilespmem:v25+s2+$0x0], $0xffff  }
0x70: {  	v24 =	vor.u32 v2, v23;
	v11 =	vld.idx.msk [tilespmem:v11+s2+$0x0], $0xffff;
	[tilespmem:v4+s24+$0x4260 ss:$0x1] =	vst.idx.msk $0xffff, v19  }
0x71: {  	v25 =	vor.u32 v2, v13;
	v20 =	vld.idx.msk [tilespmem:v20+s2+$0x0], $0xffff;
	[tilespmem:v4+s24+$0x4270 ss:$0x1] =	vst.idx.msk $0xffff, v21  }
0x72: {  	[tilespmem:v4+s24+$0x42A0 ss:$0x1] =	vst.idx.msk $0xffff, v12;
	v12 =	vor.u32 v2, v26;
	v21 =	vld.idx.msk [tilespmem:v17+s2+$0x0], $0xffff  }
0x73: {  	v27 =	vld.idx.msk [tilespmem:v14+s2+$0x0], $0xffff;
	[tilespmem:v4+s24+$0x42B0 ss:$0x1] =	vst.idx.msk $0xffff, v9;
	v9 =	vor.u32 v2, v8  }
0x74: {  	v28 =	vor.u32 v1, v7;
	v29 =	vld.idx.msk [tilespmem:v18+s2+$0x0], $0xffff;
	[tilespmem:v4+s24+$0x42C0 ss:$0x1] =	vst.idx.msk $0xffff, v10  }
0x75: {  	v30 =	vor.u32 v3, v15;
	v14 =	vld.idx.msk [tilespmem:v24+s2+$0x0], $0xffff;
	[tilespmem:v4+s22+$0x4390 ss:$0x1] =	vst.idx.msk $0xffff, v22  }
.Ltmp5:
0x76: {  	v19 =	vor.u32 v1, v5;
	[tilespmem:v4+s24+$0x42D0 ss:$0x1] =	vst.idx.msk $0xffff, v11;
	v17 =	vld.idx.msk [tilespmem:v16+s2+$0x0], $0xffff;
	(pc) =	sbr.rel @p0 .LBB2_4-.Ltmp5, $4  }
0x77: {  	v18 =	vor.u32 v3, v23;
	v11 =	vld.idx.msk [tilespmem:v25+s2+$0x0], $0xffff;
	[tilespmem:v4+s24+$0x42E0 ss:$0x1] =	vst.idx.msk $0xffff, v20  }
0x78: {  	v10 =	vld.idx.msk [tilespmem:v12+s2+$0x0], $0xffff;
	[tilespmem:v4+s22+$0x43B0 ss:$0x1] =	vst.idx.msk $0xffff, v21;
	s22 =	smov.u32 s24  }
0x79: {  	v15 =	vor.u32 v3, v13;
	v16 =	vld.idx.msk [tilespmem:v28+s2+$0x0], $0xffff;
	[tilespmem:v4+s22+$0x4320 ss:$0x1] =	vst.idx.msk $0xffff, v27  }
0x7a: {  	v13 =	vor.u32 v3, v26;
	v12 =	vld.idx.msk [tilespmem:v30+s2+$0x0], $0xffff;
	[tilespmem:v4+s22+$0x4330 ss:$0x1] =	vst.idx.msk $0xffff, v29  }
0x7b: {  	_ =	sdelay $0x3  }
0x7c: {  	v19 =	vld.idx.msk [tilespmem:v19+s2+$0x0], $0xffff;
	v21 =	vor.u32 v2, v7  }
0x7d: {  	v20 =	vor.u32 v2, v5;
	[tilespmem:v4+s22+$0x4340 ss:$0x1] =	vst.idx.msk $0xffff, v14  }
0x7e: {  	[tilespmem:v4+s22+$0x42F0 ss:$0x1] =	vst.idx.msk $0xffff, v17  }
0x7f: {  	v9 =	vld.idx.msk [tilespmem:v9+s2+$0x0], $0xffff;
	[tilespmem:v4+s22+$0x4350 ss:$0x1] =	vst.idx.msk $0xffff, v11  }
0x80: {  	v6 =	vor.u32 v3, v6;
	v60 =	vld.idx.msk [tilespmem:v18+s2+$0x0], $0xffff;
	[tilespmem:v4+s22+$0x4290 ss:$0x1] =	vst.idx.msk $0xffff, v16  }
0x81: {  	v8 =	vor.u32 v3, v8;
	[tilespmem:v4+s22+$0x4280 ss:$0x1] =	vst.idx.msk $0xffff, v19;
	v59 =	vld.idx.msk [tilespmem:v21+s2+$0x0], $0xffff  }
0x82: {  	v61 =	vor.u32 v3, v7;
	[tilespmem:v4+s22+$0x4360 ss:$0x1] =	vst.idx.msk $0xffff, v10;
	v58 =	vld.idx.msk [tilespmem:v20+s2+$0x0], $0xffff  }
0x83: {  	v5 =	vor.u32 v3, v5;
	v62 =	vld.idx.msk [tilespmem:v15+s2+$0x0], $0xffff;
	[tilespmem:v4+s22+$0x43A0 ss:$0x1] =	vst.idx.msk $0xffff, v12  }
0x84: {  	v63 =	vld.idx.msk [tilespmem:v13+s2+$0x0], $0xffff;
	[tilespmem:v4+s22+$0x4370 ss:$0x1] =	vst.idx.msk $0xffff, v9  }
0x85: {  	v6 =	vld.idx.msk [tilespmem:v6+s2+$0x0], $0xffff;
	[tilespmem:v4+s22+$0x43C0 ss:$0x1] =	vst.idx.msk $0xffff, v60  }
0x86: {  	v8 =	vld.idx.msk [tilespmem:v8+s2+$0x0], $0xffff;
	[tilespmem:v4+s22+$0x4310 ss:$0x1] =	vst.idx.msk $0xffff, v59  }
0x87: {  	[tilespmem:v4+s22+$0x4300 ss:$0x1] =	vst.idx.msk $0xffff, v58;
	v7 =	vld.idx.msk [tilespmem:v61+s2+$0x0], $0xffff  }
0x88: {  	[tilespmem:v4+s22+$0x43D0 ss:$0x1] =	vst.idx.msk $0xffff, v62;
	v5 =	vld.idx.msk [tilespmem:v5+s2+$0x0], $0xffff  }
0x89: {  	[tilespmem:v4+s22+$0x43E0 ss:$0x1] =	vst.idx.msk $0xffff, v63  }
.Ltmp6:
0x8a: {  	[tilespmem:v4+s22+$0x43B0 ss:$0x1] =	vst.idx.msk $0xffff, v6;
	(pc) =	sbr.rel .LBB2_6-.Ltmp6, $4  }
0x8b: {  	s18 =	sshll.u32 s18, $0xC;
	[tilespmem:v4+s22+$0x43F0 ss:$0x1] =	vst.idx.msk $0xffff, v8  }
0x8c: {  	s18 =	sand.u32 $0x1F0000, s18;
	[tilespmem:v4+s22+$0x4390 ss:$0x1] =	vst.idx.msk $0xffff, v7  }
0x8d: {  	s19 =	sadd.s32 $0x4200, s19;
	s17 =	sadd.s32 $0x3, s17;
	s18 =	sadd.s32 s18, s7;
	[tilespmem:v4+s22+$0x4380 ss:$0x1] =	vst.idx.msk $0xffff, v5  }
0x8e: {  	[hbm4b:s18+s13] =	stream.strided.scatter [tilespmem:s19], [sflag:s17], $0x8000, s14, s13, $0x38;
	[tilespmem:$0x14200] =	vst v63  }
.LBB2_8:
0x8f: {  	_ =	sfence.sel $0x180000  }
0x90: {  	[bflag:$0x0] =	sbarrier.arrive $0xFFFF  }
0x91: {  	p0 =	sne.s32 s1, $0x0;
	_ =	strace $0x90000047  }
0x92: {  	s0 =	sadd.s32 @!p0 $0x100000, s0;
	[bflag:$0x2] =	sbarrier.arrive $0xFFFF  }
0x93: {  	[sflag:s0] =	ssyncadd.tile.s32 @!p0 $0x1;
	_ =	shalt  }
.Lfunc_end2:
_tile_overlayer_lowered:
.L_overlay_start_2:
0x94: {  	(tag) =	ssettag $0x2  }
0x95: {  	s0 =	rddreg [dreg:$0x0];
	s2 =	stileid.u32  }
0x96: {  	s1 =	rddreg [dreg:$0x1];
	p0 =	sne.s32 s2, $0x0  }
0x97: {  	s3 =	rddreg [dreg:$0x2];
	[bflag:$0x3] =	sbarrier.arrive $0xFFFF;
	s2 =	simm.s32 @!p0 $0x1C05  }
0x98: {  	[timem:s3], [sflag:s2] =	dma.local @!p0 [hbm:s0], s1  }
0x99: {  	s0 =	simm.s32 @!p0 $0x5  }
0x9a: {  	_ =	swait.ge @!p0 [sflag:s0], s1  }
0x9b: {  	s1 =	ssub.s32 @!p0 $0x0, s1;
	[sflag:s0] =	ssyncset.done @!p0 $0x0  }
0x9c: {  	[sflag:s0] =	ssyncadd.s32 @!p0 s1  }
0x9d: {  	[bflag:$0x3] =	sbarrier.arrive $0xFFFF  }
0x9e: {  	_ =	shalt  }

</sc_bundles>
